<compile_context>
chip_gen: v7x
topology: tpu7x:2x2x1
jax: 0.10.2.dev20260603
libtpu: 0.0.44.dev20260713+nightly
codegen_flags: <defaults>
</compile_context>

<pallas_src>
import jax
import jax.numpy as jnp
from jax import lax
from jax.experimental import pallas as pl
from jax.experimental.pallas import tpu as pltpu
from jax.experimental.pallas import tpu_sc as plsc

B, S, D = 16384, 100, 64
K = 26
NC, NS, L = 2, 16, 16
NW = NC * NS
QC = B // 4
NBUF = 3
LEAD = 2


def _body(x_ref, idx_ref, out_ref, idx_v, bv0, bv1, bv2, g0, g1, g2,
          s0, s1, s2):
    bufs = (bv0, bv1, bv2)
    gsem = (g0, g1, g2)
    ssem = (s0, s1, s2)
    c_id = lax.axis_index("c")
    s_id = lax.axis_index("s")
    q = (c_id << 1) | (s_id >> 3)
    r = s_id & 7
    col0 = q * QC
    row8 = r * 8
    pltpu.sync_copy(idx_ref, idx_v)
    ga = idx_v[pl.ds(0, L)]
    gb = idx_v[pl.ds(K - L, L)]
    idx = [ga[k] for k in range(L)] + [gb[k - (K - L)] for k in range(L, K)]

    def src(k):
        return x_ref.at[pl.ds(pl.multiple_of(idx[k] * D, 8) + row8, 8),
                        pl.ds(col0, QC)]

    def dst(k):
        return out_ref.at[pl.ds(k * D + row8, 8), pl.ds(col0, QC)]

    for k in range(LEAD):
        pltpu.async_copy(src(k), bufs[k % NBUF], gsem[k % NBUF])
    for k in range(K):
        slot = k % NBUF
        nxt = k + LEAD
        if nxt < K:
            nslot = nxt % NBUF
            if nxt - NBUF >= 0:
                pltpu.make_async_copy(bufs[nslot], dst(nxt - NBUF),
                                      ssem[nslot]).wait()
            pltpu.async_copy(src(nxt), bufs[nslot], gsem[nslot])
        pltpu.make_async_copy(src(k), bufs[slot], gsem[slot]).wait()
        pltpu.async_copy(bufs[slot], dst(k), ssem[slot])
    for k in range(K - NBUF, K):
        slot = k % NBUF
        pltpu.make_async_copy(bufs[slot], dst(k), ssem[slot]).wait()


def _slab_copy(x2, indices):
    mesh = plsc.VectorSubcoreMesh(core_axis_name="c", subcore_axis_name="s",
                                  num_cores=NC, num_subcores=NS)
    return pl.kernel(
        _body,
        out_type=jax.ShapeDtypeStruct((K * D, B), jnp.float32),
        mesh=mesh,
        scratch_types=[
            pltpu.VMEM((K,), jnp.int32),
        ] + [pltpu.VMEM((8, QC), jnp.float32) for _ in range(NBUF)]
          + [pltpu.SemaphoreType.DMA for _ in range(2 * NBUF)],
    )(x2, indices)


def kernel(x, indices):
    x2 = x.transpose(1, 2, 0).reshape(S * D, B)
    out2 = _slab_copy(x2, indices)
    return out2.reshape(K, D, B).transpose(2, 0, 1)

# --- scband reference (transcript-rebuilt; emitter-appended) ---
"""Pipeline reference for scband-gather-layer-31482110280210 (READ-ONLY COPY).

The authoritative reference and input builder live on the scoring server;
editing this copy changes nothing except your own understanding.
"""

import jax, jax.numpy as jnp
import numpy as np

INDICES = jnp.array([3, 7, 11, 14, 18, 22, 27, 31, 35, 40, 44, 48, 52, 57, 61, 65, 69, 73, 77, 81, 84, 87, 90, 93, 96, 99], dtype=jnp.int32)
AXIS = 1


def setup_inputs(seed: int = 0) -> dict:
    key = jax.random.key(seed)
    x = jax.random.normal(key, (16384, 100, 64), dtype=jnp.float32)
    return {"x": x, "indices": INDICES}


def reference(x, indices):
    # Faithful translation of tf.gather(x, indices=self.indices, axis=self.axis)
    return jnp.take(x, indices, axis=AXIS)

if __name__ == "__main__":
    import jax
    _d = setup_inputs()
    print(jax.jit(kernel)(*tuple(_d.values())))

</pallas_src>

<mosaic_0001>
#map = affine_map<(d0, d1) -> (0, 0)>
#map1 = affine_map<(d0, d1) -> (0)>
module attributes {stable_mosaic.version = 14 : i64} {
  func.func @_body(%arg0: i32, %arg1: i32, %arg2: memref<6400x16384xf32, #tpu.memory_space<hbm>>, %arg3: memref<26xi32, #tpu.memory_space<hbm>>, %arg4: memref<1664x16384xf32, #tpu.memory_space<hbm>>, %arg5: memref<26xi32, #tpu.memory_space<vmem>>, %arg6: memref<8x4096xf32, #tpu.memory_space<vmem>>, %arg7: memref<8x4096xf32, #tpu.memory_space<vmem>>, %arg8: memref<8x4096xf32, #tpu.memory_space<vmem>>, %arg9: memref<!tpu.dma_semaphore, #tpu.memory_space<semaphore_mem>>, %arg10: memref<!tpu.dma_semaphore, #tpu.memory_space<semaphore_mem>>, %arg11: memref<!tpu.dma_semaphore, #tpu.memory_space<semaphore_mem>>, %arg12: memref<!tpu.dma_semaphore, #tpu.memory_space<semaphore_mem>>, %arg13: memref<!tpu.dma_semaphore, #tpu.memory_space<semaphore_mem>>, %arg14: memref<!tpu.dma_semaphore, #tpu.memory_space<semaphore_mem>>) attributes {dimension_semantics = [#tpu.dimension_semantics<core_parallel>, #tpu.dimension_semantics<subcore_parallel>], iteration_bounds = array<i64: 2, 16>, scalar_prefetch = 0 : i64, scratch_operands = 10 : i64, tpu.core_type = #tpu.core_type<sc_vector_subcore>, window_params = [{transform_indices = #map}, {transform_indices = #map1}, {transform_indices = #map}]} {
    %shift_left3A = arith.constant 1 : i32
    %shift_left3A_0 = arith.shli %arg0, %shift_left3A : i32
    %shift_right_arithmetic3A = arith.constant 3 : i32
    %shift_right_arithmetic3A_1 = arith.shrsi %arg1, %shift_right_arithmetic3A : i32
    %or3A = arith.ori %shift_left3A_0, %shift_right_arithmetic3A_1 : i32
    %and3A = arith.constant 7 : i32
    %and3A_2 = arith.andi %arg1, %and3A : i32
    %mul3A = arith.constant 4096 : i32
    %mul3A_3 = arith.muli %or3A, %mul3A : i32
    %mul3A_4 = arith.constant 8 : i32
    %mul3A_5 = arith.muli %and3A_2, %mul3A_4 : i32
    "tpu.region"() ({
      %run_scoped3A = tpu.sem_alloc : memref<!tpu.dma_semaphore, #tpu.memory_space<semaphore_mem>>
      tpu.enqueue_dma source(%arg3 : memref<26xi32, #tpu.memory_space<hbm>>) target(%arg5 : memref<26xi32, #tpu.memory_space<vmem>>) target_semaphore(%run_scoped3A : memref<!tpu.dma_semaphore, #tpu.memory_space<semaphore_mem>>)
      tpu.wait_dma2 semaphore(%run_scoped3A : memref<!tpu.dma_semaphore, #tpu.memory_space<semaphore_mem>>) src(%arg3 : memref<26xi32, #tpu.memory_space<hbm>>) dst(%arg5 : memref<26xi32, #tpu.memory_space<vmem>>)
      tpu.yield
    }) : () -> ()
    %get3A = arith.constant 0 : index
    %get3A_6 = tpu.vector_load %arg5[%get3A] {strides = array<i32>} : memref<26xi32, #tpu.memory_space<vmem>>, vector<16xi32>,
    %get3A_7 = vector.shape_cast %get3A_6 : vector<16xi32> to vector<16xi32>
    %get3A_8 = arith.constant 10 : index
    %get3A_9 = tpu.vector_load %arg5[%get3A_8] {strides = array<i32>} : memref<26xi32, #tpu.memory_space<vmem>>, vector<16xi32>,
    %get3A_10 = vector.shape_cast %get3A_9 : vector<16xi32> to vector<16xi32>
    %slice3A = vector.extract_strided_slice %get3A_7 {offsets = [0], sizes = [1], strides = [1]} : vector<16xi32> to vector<1xi32>
    %squeeze3A = vector.extract %slice3A[0] : i32 from vector<1xi32>
    %slice3A_11 = vector.extract_strided_slice %get3A_7 {offsets = [1], sizes = [1], strides = [1]} : vector<16xi32> to vector<1xi32>
    %squeeze3A_12 = vector.extract %slice3A_11[0] : i32 from vector<1xi32>
    %slice3A_13 = vector.extract_strided_slice %get3A_7 {offsets = [2], sizes = [1], strides = [1]} : vector<16xi32> to vector<1xi32>
    %squeeze3A_14 = vector.extract %slice3A_13[0] : i32 from vector<1xi32>
    %slice3A_15 = vector.extract_strided_slice %get3A_7 {offsets = [3], sizes = [1], strides = [1]} : vector<16xi32> to vector<1xi32>
    %squeeze3A_16 = vector.extract %slice3A_15[0] : i32 from vector<1xi32>
    %slice3A_17 = vector.extract_strided_slice %get3A_7 {offsets = [4], sizes = [1], strides = [1]} : vector<16xi32> to vector<1xi32>
    %squeeze3A_18 = vector.extract %slice3A_17[0] : i32 from vector<1xi32>
    %slice3A_19 = vector.extract_strided_slice %get3A_7 {offsets = [5], sizes = [1], strides = [1]} : vector<16xi32> to vector<1xi32>
    %squeeze3A_20 = vector.extract %slice3A_19[0] : i32 from vector<1xi32>
    %slice3A_21 = vector.extract_strided_slice %get3A_7 {offsets = [6], sizes = [1], strides = [1]} : vector<16xi32> to vector<1xi32>
    %squeeze3A_22 = vector.extract %slice3A_21[0] : i32 from vector<1xi32>
    %slice3A_23 = vector.extract_strided_slice %get3A_7 {offsets = [7], sizes = [1], strides = [1]} : vector<16xi32> to vector<1xi32>
    %squeeze3A_24 = vector.extract %slice3A_23[0] : i32 from vector<1xi32>
    %slice3A_25 = vector.extract_strided_slice %get3A_7 {offsets = [8], sizes = [1], strides = [1]} : vector<16xi32> to vector<1xi32>
    %squeeze3A_26 = vector.extract %slice3A_25[0] : i32 from vector<1xi32>
    %slice3A_27 = vector.extract_strided_slice %get3A_7 {offsets = [9], sizes = [1], strides = [1]} : vector<16xi32> to vector<1xi32>
    %squeeze3A_28 = vector.extract %slice3A_27[0] : i32 from vector<1xi32>
    %slice3A_29 = vector.extract_strided_slice %get3A_7 {offsets = [10], sizes = [1], strides = [1]} : vector<16xi32> to vector<1xi32>
    %squeeze3A_30 = vector.extract %slice3A_29[0] : i32 from vector<1xi32>
    %slice3A_31 = vector.extract_strided_slice %get3A_7 {offsets = [11], sizes = [1], strides = [1]} : vector<16xi32> to vector<1xi32>
    %squeeze3A_32 = vector.extract %slice3A_31[0] : i32 from vector<1xi32>
    %slice3A_33 = vector.extract_strided_slice %get3A_7 {offsets = [12], sizes = [1], strides = [1]} : vector<16xi32> to vector<1xi32>
    %squeeze3A_34 = vector.extract %slice3A_33[0] : i32 from vector<1xi32>
    %slice3A_35 = vector.extract_strided_slice %get3A_7 {offsets = [13], sizes = [1], strides = [1]} : vector<16xi32> to vector<1xi32>
    %squeeze3A_36 = vector.extract %slice3A_35[0] : i32 from vector<1xi32>
    %slice3A_37 = vector.extract_strided_slice %get3A_7 {offsets = [14], sizes = [1], strides = [1]} : vector<16xi32> to vector<1xi32>
    %squeeze3A_38 = vector.extract %slice3A_37[0] : i32 from vector<1xi32>
    %slice3A_39 = vector.extract_strided_slice %get3A_7 {offsets = [15], sizes = [1], strides = [1]} : vector<16xi32> to vector<1xi32>
    %squeeze3A_40 = vector.extract %slice3A_39[0] : i32 from vector<1xi32>
    %slice3A_41 = vector.extract_strided_slice %get3A_10 {offsets = [6], sizes = [1], strides = [1]} : vector<16xi32> to vector<1xi32>
    %squeeze3A_42 = vector.extract %slice3A_41[0] : i32 from vector<1xi32>
    %slice3A_43 = vector.extract_strided_slice %get3A_10 {offsets = [7], sizes = [1], strides = [1]} : vector<16xi32> to vector<1xi32>
    %squeeze3A_44 = vector.extract %slice3A_43[0] : i32 from vector<1xi32>
    %slice3A_45 = vector.extract_strided_slice %get3A_10 {offsets = [8], sizes = [1], strides = [1]} : vector<16xi32> to vector<1xi32>
    %squeeze3A_46 = vector.extract %slice3A_45[0] : i32 from vector<1xi32>
    %slice3A_47 = vector.extract_strided_slice %get3A_10 {offsets = [9], sizes = [1], strides = [1]} : vector<16xi32> to vector<1xi32>
    %squeeze3A_48 = vector.extract %slice3A_47[0] : i32 from vector<1xi32>
    %slice3A_49 = vector.extract_strided_slice %get3A_10 {offsets = [10], sizes = [1], strides = [1]} : vector<16xi32> to vector<1xi32>
    %squeeze3A_50 = vector.extract %slice3A_49[0] : i32 from vector<1xi32>
    %slice3A_51 = vector.extract_strided_slice %get3A_10 {offsets = [11], sizes = [1], strides = [1]} : vector<16xi32> to vector<1xi32>
    %squeeze3A_52 = vector.extract %slice3A_51[0] : i32 from vector<1xi32>
    %slice3A_53 = vector.extract_strided_slice %get3A_10 {offsets = [12], sizes = [1], strides = [1]} : vector<16xi32> to vector<1xi32>
    %squeeze3A_54 = vector.extract %slice3A_53[0] : i32 from vector<1xi32>
    %slice3A_55 = vector.extract_strided_slice %get3A_10 {offsets = [13], sizes = [1], strides = [1]} : vector<16xi32> to vector<1xi32>
    %squeeze3A_56 = vector.extract %slice3A_55[0] : i32 from vector<1xi32>
    %slice3A_57 = vector.extract_strided_slice %get3A_10 {offsets = [14], sizes = [1], strides = [1]} : vector<16xi32> to vector<1xi32>
    %squeeze3A_58 = vector.extract %slice3A_57[0] : i32 from vector<1xi32>
    %slice3A_59 = vector.extract_strided_slice %get3A_10 {offsets = [15], sizes = [1], strides = [1]} : vector<16xi32> to vector<1xi32>
    %squeeze3A_60 = vector.extract %slice3A_59[0] : i32 from vector<1xi32>
    %mul3A_61 = arith.constant 64 : i32
    %mul3A_62 = arith.muli %squeeze3A, %mul3A_61 : i32
    %multiple_of3A = tpu.assume_multiple %mul3A_62, 8 : i32
    %add3A = arith.addi %multiple_of3A, %mul3A_5 : i32
    %dma_start3A = tpu.memref_slice %arg2[%add3A, %mul3A_3] : memref<6400x16384xf32, #tpu.memory_space<hbm>> -> memref<8x4096xf32, #tpu.memory_space<hbm>>
    %dma_start3A_63 = tpu.memref_slice %arg2[%add3A, %mul3A_3] : memref<6400x16384xf32, #tpu.memory_space<hbm>> -> memref<8x4096xf32, #tpu.memory_space<hbm>>
    tpu.enqueue_dma source(%dma_start3A_63 : memref<8x4096xf32, #tpu.memory_space<hbm>>) target(%arg6 : memref<8x4096xf32, #tpu.memory_space<vmem>>) target_semaphore(%arg9 : memref<!tpu.dma_semaphore, #tpu.memory_space<semaphore_mem>>)
    %mul3A_64 = arith.constant 64 : i32
    %mul3A_65 = arith.muli %squeeze3A_12, %mul3A_64 : i32
    %multiple_of3A_66 = tpu.assume_multiple %mul3A_65, 8 : i32
    %add3A_67 = arith.addi %multiple_of3A_66, %mul3A_5 : i32
    %dma_start3A_68 = tpu.memref_slice %arg2[%add3A_67, %mul3A_3] : memref<6400x16384xf32, #tpu.memory_space<hbm>> -> memref<8x4096xf32, #tpu.memory_space<hbm>>
    %dma_start3A_69 = tpu.memref_slice %arg2[%add3A_67, %mul3A_3] : memref<6400x16384xf32, #tpu.memory_space<hbm>> -> memref<8x4096xf32, #tpu.memory_space<hbm>>
    tpu.enqueue_dma source(%dma_start3A_69 : memref<8x4096xf32, #tpu.memory_space<hbm>>) target(%arg7 : memref<8x4096xf32, #tpu.memory_space<vmem>>) target_semaphore(%arg10 : memref<!tpu.dma_semaphore, #tpu.memory_space<semaphore_mem>>)
    %mul3A_70 = arith.constant 64 : i32
    %mul3A_71 = arith.muli %squeeze3A_14, %mul3A_70 : i32
    %multiple_of3A_72 = tpu.assume_multiple %mul3A_71, 8 : i32
    %add3A_73 = arith.addi %multiple_of3A_72, %mul3A_5 : i32
    %dma_start3A_74 = tpu.memref_slice %arg2[%add3A_73, %mul3A_3] : memref<6400x16384xf32, #tpu.memory_space<hbm>> -> memref<8x4096xf32, #tpu.memory_space<hbm>>
    %dma_start3A_75 = tpu.memref_slice %arg2[%add3A_73, %mul3A_3] : memref<6400x16384xf32, #tpu.memory_space<hbm>> -> memref<8x4096xf32, #tpu.memory_space<hbm>>
    tpu.enqueue_dma source(%dma_start3A_75 : memref<8x4096xf32, #tpu.memory_space<hbm>>) target(%arg8 : memref<8x4096xf32, #tpu.memory_space<vmem>>) target_semaphore(%arg11 : memref<!tpu.dma_semaphore, #tpu.memory_space<semaphore_mem>>)
    %mul3A_76 = arith.constant 64 : i32
    %mul3A_77 = arith.muli %squeeze3A, %mul3A_76 : i32
    %multiple_of3A_78 = tpu.assume_multiple %mul3A_77, 8 : i32
    %add3A_79 = arith.addi %multiple_of3A_78, %mul3A_5 : i32
    %dma_wait3A = tpu.memref_slice %arg2[%add3A_79, %mul3A_3] : memref<6400x16384xf32, #tpu.memory_space<hbm>> -> memref<8x4096xf32, #tpu.memory_space<hbm>>
    %dma_wait3A_80 = tpu.memref_slice %arg2[%add3A_79, %mul3A_3] : memref<6400x16384xf32, #tpu.memory_space<hbm>> -> memref<8x4096xf32, #tpu.memory_space<hbm>>
    tpu.wait_dma2 semaphore(%arg9 : memref<!tpu.dma_semaphore, #tpu.memory_space<semaphore_mem>>) src(%dma_wait3A_80 : memref<8x4096xf32, #tpu.memory_space<hbm>>) dst(%arg6 : memref<8x4096xf32, #tpu.memory_space<vmem>>)
    %add3A_81 = arith.constant 0 : i32
    %add3A_82 = arith.addi %add3A_81, %mul3A_5 : i32
    %dma_start3A_83 = tpu.memref_slice %arg4[%add3A_82, %mul3A_3] : memref<1664x16384xf32, #tpu.memory_space<hbm>> -> memref<8x4096xf32, #tpu.memory_space<hbm>>
    %dma_start3A_84 = tpu.memref_slice %arg4[%add3A_82, %mul3A_3] : memref<1664x16384xf32, #tpu.memory_space<hbm>> -> memref<8x4096xf32, #tpu.memory_space<hbm>>
    tpu.enqueue_dma source(%arg6 : memref<8x4096xf32, #tpu.memory_space<vmem>>) target(%dma_start3A_84 : memref<8x4096xf32, #tpu.memory_space<hbm>>) target_semaphore(%arg12 : memref<!tpu.dma_semaphore, #tpu.memory_space<semaphore_mem>>)
    %add3A_85 = arith.constant 0 : i32
    %add3A_86 = arith.addi %add3A_85, %mul3A_5 : i32
    %dma_wait3A_87 = tpu.memref_slice %arg4[%add3A_86, %mul3A_3] : memref<1664x16384xf32, #tpu.memory_space<hbm>> -> memref<8x4096xf32, #tpu.memory_space<hbm>>
    %dma_wait3A_88 = tpu.memref_slice %arg4[%add3A_86, %mul3A_3] : memref<1664x16384xf32, #tpu.memory_space<hbm>> -> memref<8x4096xf32, #tpu.memory_space<hbm>>
    tpu.wait_dma2 semaphore(%arg12 : memref<!tpu.dma_semaphore, #tpu.memory_space<semaphore_mem>>) src(%arg6 : memref<8x4096xf32, #tpu.memory_space<vmem>>) dst(%dma_wait3A_88 : memref<8x4096xf32, #tpu.memory_space<hbm>>)
    %mul3A_89 = arith.constant 64 : i32
    %mul3A_90 = arith.muli %squeeze3A_16, %mul3A_89 : i32
    %multiple_of3A_91 = tpu.assume_multiple %mul3A_90, 8 : i32
    %add3A_92 = arith.addi %multiple_of3A_91, %mul3A_5 : i32
    %dma_start3A_93 = tpu.memref_slice %arg2[%add3A_92, %mul3A_3] : memref<6400x16384xf32, #tpu.memory_space<hbm>> -> memref<8x4096xf32, #tpu.memory_space<hbm>>
    %dma_start3A_94 = tpu.memref_slice %arg2[%add3A_92, %mul3A_3] : memref<6400x16384xf32, #tpu.memory_space<hbm>> -> memref<8x4096xf32, #tpu.memory_space<hbm>>
    tpu.enqueue_dma source(%dma_start3A_94 : memref<8x4096xf32, #tpu.memory_space<hbm>>) target(%arg6 : memref<8x4096xf32, #tpu.memory_space<vmem>>) target_semaphore(%arg9 : memref<!tpu.dma_semaphore, #tpu.memory_space<semaphore_mem>>)
    %mul3A_95 = arith.constant 64 : i32
    %mul3A_96 = arith.muli %squeeze3A_12, %mul3A_95 : i32
    %multiple_of3A_97 = tpu.assume_multiple %mul3A_96, 8 : i32
    %add3A_98 = arith.addi %multiple_of3A_97, %mul3A_5 : i32
    %dma_wait3A_99 = tpu.memref_slice %arg2[%add3A_98, %mul3A_3] : memref<6400x16384xf32, #tpu.memory_space<hbm>> -> memref<8x4096xf32, #tpu.memory_space<hbm>>
    %dma_wait3A_100 = tpu.memref_slice %arg2[%add3A_98, %mul3A_3] : memref<6400x16384xf32, #tpu.memory_space<hbm>> -> memref<8x4096xf32, #tpu.memory_space<hbm>>
    tpu.wait_dma2 semaphore(%arg10 : memref<!tpu.dma_semaphore, #tpu.memory_space<semaphore_mem>>) src(%dma_wait3A_100 : memref<8x4096xf32, #tpu.memory_space<hbm>>) dst(%arg7 : memref<8x4096xf32, #tpu.memory_space<vmem>>)
    %add3A_101 = arith.constant 64 : i32
    %add3A_102 = arith.addi %add3A_101, %mul3A_5 : i32
    %dma_start3A_103 = tpu.memref_slice %arg4[%add3A_102, %mul3A_3] : memref<1664x16384xf32, #tpu.memory_space<hbm>> -> memref<8x4096xf32, #tpu.memory_space<hbm>>
    %dma_start3A_104 = tpu.memref_slice %arg4[%add3A_102, %mul3A_3] : memref<1664x16384xf32, #tpu.memory_space<hbm>> -> memref<8x4096xf32, #tpu.memory_space<hbm>>
    tpu.enqueue_dma source(%arg7 : memref<8x4096xf32, #tpu.memory_space<vmem>>) target(%dma_start3A_104 : memref<8x4096xf32, #tpu.memory_space<hbm>>) target_semaphore(%arg13 : memref<!tpu.dma_semaphore, #tpu.memory_space<semaphore_mem>>)
    %add3A_105 = arith.constant 64 : i32
    %add3A_106 = arith.addi %add3A_105, %mul3A_5 : i32
    %dma_wait3A_107 = tpu.memref_slice %arg4[%add3A_106, %mul3A_3] : memref<1664x16384xf32, #tpu.memory_space<hbm>> -> memref<8x4096xf32, #tpu.memory_space<hbm>>
    %dma_wait3A_108 = tpu.memref_slice %arg4[%add3A_106, %mul3A_3] : memref<1664x16384xf32, #tpu.memory_space<hbm>> -> memref<8x4096xf32, #tpu.memory_space<hbm>>
    tpu.wait_dma2 semaphore(%arg13 : memref<!tpu.dma_semaphore, #tpu.memory_space<semaphore_mem>>) src(%arg7 : memref<8x4096xf32, #tpu.memory_space<vmem>>) dst(%dma_wait3A_108 : memref<8x4096xf32, #tpu.memory_space<hbm>>)
    %mul3A_109 = arith.constant 64 : i32
    %mul3A_110 = arith.muli %squeeze3A_18, %mul3A_109 : i32
    %multiple_of3A_111 = tpu.assume_multiple %mul3A_110, 8 : i32
    %add3A_112 = arith.addi %multiple_of3A_111, %mul3A_5 : i32
    %dma_start3A_113 = tpu.memref_slice %arg2[%add3A_112, %mul3A_3] : memref<6400x16384xf32, #tpu.memory_space<hbm>> -> memref<8x4096xf32, #tpu.memory_space<hbm>>
    %dma_start3A_114 = tpu.memref_slice %arg2[%add3A_112, %mul3A_3] : memref<6400x16384xf32, #tpu.memory_space<hbm>> -> memref<8x4096xf32, #tpu.memory_space<hbm>>
    tpu.enqueue_dma source(%dma_start3A_114 : memref<8x4096xf32, #tpu.memory_space<hbm>>) target(%arg7 : memref<8x4096xf32, #tpu.memory_space<vmem>>) target_semaphore(%arg10 : memref<!tpu.dma_semaphore, #tpu.memory_space<semaphore_mem>>)
    %mul3A_115 = arith.constant 64 : i32
    %mul3A_116 = arith.muli %squeeze3A_14, %mul3A_115 : i32
    %multiple_of3A_117 = tpu.assume_multiple %mul3A_116, 8 : i32
    %add3A_118 = arith.addi %multiple_of3A_117, %mul3A_5 : i32
    %dma_wait3A_119 = tpu.memref_slice %arg2[%add3A_118, %mul3A_3] : memref<6400x16384xf32, #tpu.memory_space<hbm>> -> memref<8x4096xf32, #tpu.memory_space<hbm>>
    %dma_wait3A_120 = tpu.memref_slice %arg2[%add3A_118, %mul3A_3] : memref<6400x16384xf32, #tpu.memory_space<hbm>> -> memref<8x4096xf32, #tpu.memory_space<hbm>>
    tpu.wait_dma2 semaphore(%arg11 : memref<!tpu.dma_semaphore, #tpu.memory_space<semaphore_mem>>) src(%dma_wait3A_120 : memref<8x4096xf32, #tpu.memory_space<hbm>>) dst(%arg8 : memref<8x4096xf32, #tpu.memory_space<vmem>>)
    %add3A_121 = arith.constant 128 : i32
    %add3A_122 = arith.addi %add3A_121, %mul3A_5 : i32
    %dma_start3A_123 = tpu.memref_slice %arg4[%add3A_122, %mul3A_3] : memref<1664x16384xf32, #tpu.memory_space<hbm>> -> memref<8x4096xf32, #tpu.memory_space<hbm>>
    %dma_start3A_124 = tpu.memref_slice %arg4[%add3A_122, %mul3A_3] : memref<1664x16384xf32, #tpu.memory_space<hbm>> -> memref<8x4096xf32, #tpu.memory_space<hbm>>
    tpu.enqueue_dma source(%arg8 : memref<8x4096xf32, #tpu.memory_space<vmem>>) target(%dma_start3A_124 : memref<8x4096xf32, #tpu.memory_space<hbm>>) target_semaphore(%arg14 : memref<!tpu.dma_semaphore, #tpu.memory_space<semaphore_mem>>)
    %add3A_125 = arith.constant 128 : i32
    %add3A_126 = arith.addi %add3A_125, %mul3A_5 : i32
    %dma_wait3A_127 = tpu.memref_slice %arg4[%add3A_126, %mul3A_3] : memref<1664x16384xf32, #tpu.memory_space<hbm>> -> memref<8x4096xf32, #tpu.memory_space<hbm>>
    %dma_wait3A_128 = tpu.memref_slice %arg4[%add3A_126, %mul3A_3] : memref<1664x16384xf32, #tpu.memory_space<hbm>> -> memref<8x4096xf32, #tpu.memory_space<hbm>>
    tpu.wait_dma2 semaphore(%arg14 : memref<!tpu.dma_semaphore, #tpu.memory_space<semaphore_mem>>) src(%arg8 : memref<8x4096xf32, #tpu.memory_space<vmem>>) dst(%dma_wait3A_128 : memref<8x4096xf32, #tpu.memory_space<hbm>>)
    %mul3A_129 = arith.constant 64 : i32
    %mul3A_130 = arith.muli %squeeze3A_20, %mul3A_129 : i32
    %multiple_of3A_131 = tpu.assume_multiple %mul3A_130, 8 : i32
    %add3A_132 = arith.addi %multiple_of3A_131, %mul3A_5 : i32
    %dma_start3A_133 = tpu.memref_slice %arg2[%add3A_132, %mul3A_3] : memref<6400x16384xf32, #tpu.memory_space<hbm>> -> memref<8x4096xf32, #tpu.memory_space<hbm>>
    %dma_start3A_134 = tpu.memref_slice %arg2[%add3A_132, %mul3A_3] : memref<6400x16384xf32, #tpu.memory_space<hbm>> -> memref<8x4096xf32, #tpu.memory_space<hbm>>
    tpu.enqueue_dma source(%dma_start3A_134 : memref<8x4096xf32, #tpu.memory_space<hbm>>) target(%arg8 : memref<8x4096xf32, #tpu.memory_space<vmem>>) target_semaphore(%arg11 : memref<!tpu.dma_semaphore, #tpu.memory_space<semaphore_mem>>)
    %mul3A_135 = arith.constant 64 : i32
    %mul3A_136 = arith.muli %squeeze3A_16, %mul3A_135 : i32
    %multiple_of3A_137 = tpu.assume_multiple %mul3A_136, 8 : i32
    %add3A_138 = arith.addi %multiple_of3A_137, %mul3A_5 : i32
    %dma_wait3A_139 = tpu.memref_slice %arg2[%add3A_138, %mul3A_3] : memref<6400x16384xf32, #tpu.memory_space<hbm>> -> memref<8x4096xf32, #tpu.memory_space<hbm>>
    %dma_wait3A_140 = tpu.memref_slice %arg2[%add3A_138, %mul3A_3] : memref<6400x16384xf32, #tpu.memory_space<hbm>> -> memref<8x4096xf32, #tpu.memory_space<hbm>>
    tpu.wait_dma2 semaphore(%arg9 : memref<!tpu.dma_semaphore, #tpu.memory_space<semaphore_mem>>) src(%dma_wait3A_140 : memref<8x4096xf32, #tpu.memory_space<hbm>>) dst(%arg6 : memref<8x4096xf32, #tpu.memory_space<vmem>>)
    %add3A_141 = arith.constant 192 : i32
    %add3A_142 = arith.addi %add3A_141, %mul3A_5 : i32
    %dma_start3A_143 = tpu.memref_slice %arg4[%add3A_142, %mul3A_3] : memref<1664x16384xf32, #tpu.memory_space<hbm>> -> memref<8x4096xf32, #tpu.memory_space<hbm>>
    %dma_start3A_144 = tpu.memref_slice %arg4[%add3A_142, %mul3A_3] : memref<1664x16384xf32, #tpu.memory_space<hbm>> -> memref<8x4096xf32, #tpu.memory_space<hbm>>
    tpu.enqueue_dma source(%arg6 : memref<8x4096xf32, #tpu.memory_space<vmem>>) target(%dma_start3A_144 : memref<8x4096xf32, #tpu.memory_space<hbm>>) target_semaphore(%arg12 : memref<!tpu.dma_semaphore, #tpu.memory_space<semaphore_mem>>)
    %add3A_145 = arith.constant 192 : i32
    %add3A_146 = arith.addi %add3A_145, %mul3A_5 : i32
    %dma_wait3A_147 = tpu.memref_slice %arg4[%add3A_146, %mul3A_3] : memref<1664x16384xf32, #tpu.memory_space<hbm>> -> memref<8x4096xf32, #tpu.memory_space<hbm>>
    %dma_wait3A_148 = tpu.memref_slice %arg4[%add3A_146, %mul3A_3] : memref<1664x16384xf32, #tpu.memory_space<hbm>> -> memref<8x4096xf32, #tpu.memory_space<hbm>>
    tpu.wait_dma2 semaphore(%arg12 : memref<!tpu.dma_semaphore, #tpu.memory_space<semaphore_mem>>) src(%arg6 : memref<8x4096xf32, #tpu.memory_space<vmem>>) dst(%dma_wait3A_148 : memref<8x4096xf32, #tpu.memory_space<hbm>>)
    %mul3A_149 = arith.constant 64 : i32
    %mul3A_150 = arith.muli %squeeze3A_22, %mul3A_149 : i32
    %multiple_of3A_151 = tpu.assume_multiple %mul3A_150, 8 : i32
    %add3A_152 = arith.addi %multiple_of3A_151, %mul3A_5 : i32
    %dma_start3A_153 = tpu.memref_slice %arg2[%add3A_152, %mul3A_3] : memref<6400x16384xf32, #tpu.memory_space<hbm>> -> memref<8x4096xf32, #tpu.memory_space<hbm>>
    %dma_start3A_154 = tpu.memref_slice %arg2[%add3A_152, %mul3A_3] : memref<6400x16384xf32, #tpu.memory_space<hbm>> -> memref<8x4096xf32, #tpu.memory_space<hbm>>
    tpu.enqueue_dma source(%dma_start3A_154 : memref<8x4096xf32, #tpu.memory_space<hbm>>) target(%arg6 : memref<8x4096xf32, #tpu.memory_space<vmem>>) target_semaphore(%arg9 : memref<!tpu.dma_semaphore, #tpu.memory_space<semaphore_mem>>)
    %mul3A_155 = arith.constant 64 : i32
    %mul3A_156 = arith.muli %squeeze3A_18, %mul3A_155 : i32
    %multiple_of3A_157 = tpu.assume_multiple %mul3A_156, 8 : i32
    %add3A_158 = arith.addi %multiple_of3A_157, %mul3A_5 : i32
    %dma_wait3A_159 = tpu.memref_slice %arg2[%add3A_158, %mul3A_3] : memref<6400x16384xf32, #tpu.memory_space<hbm>> -> memref<8x4096xf32, #tpu.memory_space<hbm>>
    %dma_wait3A_160 = tpu.memref_slice %arg2[%add3A_158, %mul3A_3] : memref<6400x16384xf32, #tpu.memory_space<hbm>> -> memref<8x4096xf32, #tpu.memory_space<hbm>>
    tpu.wait_dma2 semaphore(%arg10 : memref<!tpu.dma_semaphore, #tpu.memory_space<semaphore_mem>>) src(%dma_wait3A_160 : memref<8x4096xf32, #tpu.memory_space<hbm>>) dst(%arg7 : memref<8x4096xf32, #tpu.memory_space<vmem>>)
    %add3A_161 = arith.constant 256 : i32
    %add3A_162 = arith.addi %add3A_161, %mul3A_5 : i32
    %dma_start3A_163 = tpu.memref_slice %arg4[%add3A_162, %mul3A_3] : memref<1664x16384xf32, #tpu.memory_space<hbm>> -> memref<8x4096xf32, #tpu.memory_space<hbm>>
    %dma_start3A_164 = tpu.memref_slice %arg4[%add3A_162, %mul3A_3] : memref<1664x16384xf32, #tpu.memory_space<hbm>> -> memref<8x4096xf32, #tpu.memory_space<hbm>>
    tpu.enqueue_dma source(%arg7 : memref<8x4096xf32, #tpu.memory_space<vmem>>) target(%dma_start3A_164 : memref<8x4096xf32, #tpu.memory_space<hbm>>) target_semaphore(%arg13 : memref<!tpu.dma_semaphore, #tpu.memory_space<semaphore_mem>>)
    %add3A_165 = arith.constant 256 : i32
    %add3A_166 = arith.addi %add3A_165, %mul3A_5 : i32
    %dma_wait3A_167 = tpu.memref_slice %arg4[%add3A_166, %mul3A_3] : memref<1664x16384xf32, #tpu.memory_space<hbm>> -> memref<8x4096xf32, #tpu.memory_space<hbm>>
    %dma_wait3A_168 = tpu.memref_slice %arg4[%add3A_166, %mul3A_3] : memref<1664x16384xf32, #tpu.memory_space<hbm>> -> memref<8x4096xf32, #tpu.memory_space<hbm>>
    tpu.wait_dma2 semaphore(%arg13 : memref<!tpu.dma_semaphore, #tpu.memory_space<semaphore_mem>>) src(%arg7 : memref<8x4096xf32, #tpu.memory_space<vmem>>) dst(%dma_wait3A_168 : memref<8x4096xf32, #tpu.memory_space<hbm>>)
    %mul3A_169 = arith.constant 64 : i32
    %mul3A_170 = arith.muli %squeeze3A_24, %mul3A_169 : i32
    %multiple_of3A_171 = tpu.assume_multiple %mul3A_170, 8 : i32
    %add3A_172 = arith.addi %multiple_of3A_171, %mul3A_5 : i32
    %dma_start3A_173 = tpu.memref_slice %arg2[%add3A_172, %mul3A_3] : memref<6400x16384xf32, #tpu.memory_space<hbm>> -> memref<8x4096xf32, #tpu.memory_space<hbm>>
    %dma_start3A_174 = tpu.memref_slice %arg2[%add3A_172, %mul3A_3] : memref<6400x16384xf32, #tpu.memory_space<hbm>> -> memref<8x4096xf32, #tpu.memory_space<hbm>>
    tpu.enqueue_dma source(%dma_start3A_174 : memref<8x4096xf32, #tpu.memory_space<hbm>>) target(%arg7 : memref<8x4096xf32, #tpu.memory_space<vmem>>) target_semaphore(%arg10 : memref<!tpu.dma_semaphore, #tpu.memory_space<semaphore_mem>>)
    %mul3A_175 = arith.constant 64 : i32
    %mul3A_176 = arith.muli %squeeze3A_20, %mul3A_175 : i32
    %multiple_of3A_177 = tpu.assume_multiple %mul3A_176, 8 : i32
    %add3A_178 = arith.addi %multiple_of3A_177, %mul3A_5 : i32
    %dma_wait3A_179 = tpu.memref_slice %arg2[%add3A_178, %mul3A_3] : memref<6400x16384xf32, #tpu.memory_space<hbm>> -> memref<8x4096xf32, #tpu.memory_space<hbm>>
    %dma_wait3A_180 = tpu.memref_slice %arg2[%add3A_178, %mul3A_3] : memref<6400x16384xf32, #tpu.memory_space<hbm>> -> memref<8x4096xf32, #tpu.memory_space<hbm>>
    tpu.wait_dma2 semaphore(%arg11 : memref<!tpu.dma_semaphore, #tpu.memory_space<semaphore_mem>>) src(%dma_wait3A_180 : memref<8x4096xf32, #tpu.memory_space<hbm>>) dst(%arg8 : memref<8x4096xf32, #tpu.memory_space<vmem>>)
    %add3A_181 = arith.constant 320 : i32
    %add3A_182 = arith.addi %add3A_181, %mul3A_5 : i32
    %dma_start3A_183 = tpu.memref_slice %arg4[%add3A_182, %mul3A_3] : memref<1664x16384xf32, #tpu.memory_space<hbm>> -> memref<8x4096xf32, #tpu.memory_space<hbm>>
    %dma_start3A_184 = tpu.memref_slice %arg4[%add3A_182, %mul3A_3] : memref<1664x16384xf32, #tpu.memory_space<hbm>> -> memref<8x4096xf32, #tpu.memory_space<hbm>>
    tpu.enqueue_dma source(%arg8 : memref<8x4096xf32, #tpu.memory_space<vmem>>) target(%dma_start3A_184 : memref<8x4096xf32, #tpu.memory_space<hbm>>) target_semaphore(%arg14 : memref<!tpu.dma_semaphore, #tpu.memory_space<semaphore_mem>>)
    %add3A_185 = arith.constant 320 : i32
    %add3A_186 = arith.addi %add3A_185, %mul3A_5 : i32
    %dma_wait3A_187 = tpu.memref_slice %arg4[%add3A_186, %mul3A_3] : memref<1664x16384xf32, #tpu.memory_space<hbm>> -> memref<8x4096xf32, #tpu.memory_space<hbm>>
    %dma_wait3A_188 = tpu.memref_slice %arg4[%add3A_186, %mul3A_3] : memref<1664x16384xf32, #tpu.memory_space<hbm>> -> memref<8x4096xf32, #tpu.memory_space<hbm>>
    tpu.wait_dma2 semaphore(%arg14 : memref<!tpu.dma_semaphore, #tpu.memory_space<semaphore_mem>>) src(%arg8 : memref<8x4096xf32, #tpu.memory_space<vmem>>) dst(%dma_wait3A_188 : memref<8x4096xf32, #tpu.memory_space<hbm>>)
    %mul3A_189 = arith.constant 64 : i32
    %mul3A_190 = arith.muli %squeeze3A_26, %mul3A_189 : i32
    %multiple_of3A_191 = tpu.assume_multiple %mul3A_190, 8 : i32
    %add3A_192 = arith.addi %multiple_of3A_191, %mul3A_5 : i32
    %dma_start3A_193 = tpu.memref_slice %arg2[%add3A_192, %mul3A_3] : memref<6400x16384xf32, #tpu.memory_space<hbm>> -> memref<8x4096xf32, #tpu.memory_space<hbm>>
    %dma_start3A_194 = tpu.memref_slice %arg2[%add3A_192, %mul3A_3] : memref<6400x16384xf32, #tpu.memory_space<hbm>> -> memref<8x4096xf32, #tpu.memory_space<hbm>>
    tpu.enqueue_dma source(%dma_start3A_194 : memref<8x4096xf32, #tpu.memory_space<hbm>>) target(%arg8 : memref<8x4096xf32, #tpu.memory_space<vmem>>) target_semaphore(%arg11 : memref<!tpu.dma_semaphore, #tpu.memory_space<semaphore_mem>>)
    %mul3A_195 = arith.constant 64 : i32
    %mul3A_196 = arith.muli %squeeze3A_22, %mul3A_195 : i32
    %multiple_of3A_197 = tpu.assume_multiple %mul3A_196, 8 : i32
    %add3A_198 = arith.addi %multiple_of3A_197, %mul3A_5 : i32
    %dma_wait3A_199 = tpu.memref_slice %arg2[%add3A_198, %mul3A_3] : memref<6400x16384xf32, #tpu.memory_space<hbm>> -> memref<8x4096xf32, #tpu.memory_space<hbm>>
    %dma_wait3A_200 = tpu.memref_slice %arg2[%add3A_198, %mul3A_3] : memref<6400x16384xf32, #tpu.memory_space<hbm>> -> memref<8x4096xf32, #tpu.memory_space<hbm>>
    tpu.wait_dma2 semaphore(%arg9 : memref<!tpu.dma_semaphore, #tpu.memory_space<semaphore_mem>>) src(%dma_wait3A_200 : memref<8x4096xf32, #tpu.memory_space<hbm>>) dst(%arg6 : memref<8x4096xf32, #tpu.memory_space<vmem>>)
    %add3A_201 = arith.constant 384 : i32
    %add3A_202 = arith.addi %add3A_201, %mul3A_5 : i32
    %dma_start3A_203 = tpu.memref_slice %arg4[%add3A_202, %mul3A_3] : memref<1664x16384xf32, #tpu.memory_space<hbm>> -> memref<8x4096xf32, #tpu.memory_space<hbm>>
    %dma_start3A_204 = tpu.memref_slice %arg4[%add3A_202, %mul3A_3] : memref<1664x16384xf32, #tpu.memory_space<hbm>> -> memref<8x4096xf32, #tpu.memory_space<hbm>>
    tpu.enqueue_dma source(%arg6 : memref<8x4096xf32, #tpu.memory_space<vmem>>) target(%dma_start3A_204 : memref<8x4096xf32, #tpu.memory_space<hbm>>) target_semaphore(%arg12 : memref<!tpu.dma_semaphore, #tpu.memory_space<semaphore_mem>>)
    %add3A_205 = arith.constant 384 : i32
    %add3A_206 = arith.addi %add3A_205, %mul3A_5 : i32
    %dma_wait3A_207 = tpu.memref_slice %arg4[%add3A_206, %mul3A_3] : memref<1664x16384xf32, #tpu.memory_space<hbm>> -> memref<8x4096xf32, #tpu.memory_space<hbm>>
    %dma_wait3A_208 = tpu.memref_slice %arg4[%add3A_206, %mul3A_3] : memref<1664x16384xf32, #tpu.memory_space<hbm>> -> memref<8x4096xf32, #tpu.memory_space<hbm>>
    tpu.wait_dma2 semaphore(%arg12 : memref<!tpu.dma_semaphore, #tpu.memory_space<semaphore_mem>>) src(%arg6 : memref<8x4096xf32, #tpu.memory_space<vmem>>) dst(%dma_wait3A_208 : memref<8x4096xf32, #tpu.memory_space<hbm>>)
    %mul3A_209 = arith.constant 64 : i32
    %mul3A_210 = arith.muli %squeeze3A_28, %mul3A_209 : i32
    %multiple_of3A_211 = tpu.assume_multiple %mul3A_210, 8 : i32
    %add3A_212 = arith.addi %multiple_of3A_211, %mul3A_5 : i32
    %dma_start3A_213 = tpu.memref_slice %arg2[%add3A_212, %mul3A_3] : memref<6400x16384xf32, #tpu.memory_space<hbm>> -> memref<8x4096xf32, #tpu.memory_space<hbm>>
    %dma_start3A_214 = tpu.memref_slice %arg2[%add3A_212, %mul3A_3] : memref<6400x16384xf32, #tpu.memory_space<hbm>> -> memref<8x4096xf32, #tpu.memory_space<hbm>>
    tpu.enqueue_dma source(%dma_start3A_214 : memref<8x4096xf32, #tpu.memory_space<hbm>>) target(%arg6 : memref<8x4096xf32, #tpu.memory_space<vmem>>) target_semaphore(%arg9 : memref<!tpu.dma_semaphore, #tpu.memory_space<semaphore_mem>>)
    %mul3A_215 = arith.constant 64 : i32
    %mul3A_216 = arith.muli %squeeze3A_24, %mul3A_215 : i32
    %multiple_of3A_217 = tpu.assume_multiple %mul3A_216, 8 : i32
    %add3A_218 = arith.addi %multiple_of3A_217, %mul3A_5 : i32
    %dma_wait3A_219 = tpu.memref_slice %arg2[%add3A_218, %mul3A_3] : memref<6400x16384xf32, #tpu.memory_space<hbm>> -> memref<8x4096xf32, #tpu.memory_space<hbm>>
    %dma_wait3A_220 = tpu.memref_slice %arg2[%add3A_218, %mul3A_3] : memref<6400x16384xf32, #tpu.memory_space<hbm>> -> memref<8x4096xf32, #tpu.memory_space<hbm>>
    tpu.wait_dma2 semaphore(%arg10 : memref<!tpu.dma_semaphore, #tpu.memory_space<semaphore_mem>>) src(%dma_wait3A_220 : memref<8x4096xf32, #tpu.memory_space<hbm>>) dst(%arg7 : memref<8x4096xf32, #tpu.memory_space<vmem>>)
    %add3A_221 = arith.constant 448 : i32
    %add3A_222 = arith.addi %add3A_221, %mul3A_5 : i32
    %dma_start3A_223 = tpu.memref_slice %arg4[%add3A_222, %mul3A_3] : memref<1664x16384xf32, #tpu.memory_space<hbm>> -> memref<8x4096xf32, #tpu.memory_space<hbm>>
    %dma_start3A_224 = tpu.memref_slice %arg4[%add3A_222, %mul3A_3] : memref<1664x16384xf32, #tpu.memory_space<hbm>> -> memref<8x4096xf32, #tpu.memory_space<hbm>>
    tpu.enqueue_dma source(%arg7 : memref<8x4096xf32, #tpu.memory_space<vmem>>) target(%dma_start3A_224 : memref<8x4096xf32, #tpu.memory_space<hbm>>) target_semaphore(%arg13 : memref<!tpu.dma_semaphore, #tpu.memory_space<semaphore_mem>>)
    %add3A_225 = arith.constant 448 : i32
    %add3A_226 = arith.addi %add3A_225, %mul3A_5 : i32
    %dma_wait3A_227 = tpu.memref_slice %arg4[%add3A_226, %mul3A_3] : memref<1664x16384xf32, #tpu.memory_space<hbm>> -> memref<8x4096xf32, #tpu.memory_space<hbm>>
    %dma_wait3A_228 = tpu.memref_slice %arg4[%add3A_226, %mul3A_3] : memref<1664x16384xf32, #tpu.memory_space<hbm>> -> memref<8x4096xf32, #tpu.memory_space<hbm>>
    tpu.wait_dma2 semaphore(%arg13 : memref<!tpu.dma_semaphore, #tpu.memory_space<semaphore_mem>>) src(%arg7 : memref<8x4096xf32, #tpu.memory_space<vmem>>) dst(%dma_wait3A_228 : memref<8x4096xf32, #tpu.memory_space<hbm>>)
    %mul3A_229 = arith.constant 64 : i32
    %mul3A_230 = arith.muli %squeeze3A_30, %mul3A_229 : i32
    %multiple_of3A_231 = tpu.assume_multiple %mul3A_230, 8 : i32
    %add3A_232 = arith.addi %multiple_of3A_231, %mul3A_5 : i32
    %dma_start3A_233 = tpu.memref_slice %arg2[%add3A_232, %mul3A_3] : memref<6400x16384xf32, #tpu.memory_space<hbm>> -> memref<8x4096xf32, #tpu.memory_space<hbm>>
    %dma_start3A_234 = tpu.memref_slice %arg2[%add3A_232, %mul3A_3] : memref<6400x16384xf32, #tpu.memory_space<hbm>> -> memref<8x4096xf32, #tpu.memory_space<hbm>>
    tpu.enqueue_dma source(%dma_start3A_234 : memref<8x4096xf32, #tpu.memory_space<hbm>>) target(%arg7 : memref<8x4096xf32, #tpu.memory_space<vmem>>) target_semaphore(%arg10 : memref<!tpu.dma_semaphore, #tpu.memory_space<semaphore_mem>>)
    %mul3A_235 = arith.constant 64 : i32
    %mul3A_236 = arith.muli %squeeze3A_26, %mul3A_235 : i32
    %multiple_of3A_237 = tpu.assume_multiple %mul3A_236, 8 : i32
    %add3A_238 = arith.addi %multiple_of3A_237, %mul3A_5 : i32
    %dma_wait3A_239 = tpu.memref_slice %arg2[%add3A_238, %mul3A_3] : memref<6400x16384xf32, #tpu.memory_space<hbm>> -> memref<8x4096xf32, #tpu.memory_space<hbm>>
    %dma_wait3A_240 = tpu.memref_slice %arg2[%add3A_238, %mul3A_3] : memref<6400x16384xf32, #tpu.memory_space<hbm>> -> memref<8x4096xf32, #tpu.memory_space<hbm>>
    tpu.wait_dma2 semaphore(%arg11 : memref<!tpu.dma_semaphore, #tpu.memory_space<semaphore_mem>>) src(%dma_wait3A_240 : memref<8x4096xf32, #tpu.memory_space<hbm>>) dst(%arg8 : memref<8x4096xf32, #tpu.memory_space<vmem>>)
    %add3A_241 = arith.constant 512 : i32
    %add3A_242 = arith.addi %add3A_241, %mul3A_5 : i32
    %dma_start3A_243 = tpu.memref_slice %arg4[%add3A_242, %mul3A_3] : memref<1664x16384xf32, #tpu.memory_space<hbm>> -> memref<8x4096xf32, #tpu.memory_space<hbm>>
    %dma_start3A_244 = tpu.memref_slice %arg4[%add3A_242, %mul3A_3] : memref<1664x16384xf32, #tpu.memory_space<hbm>> -> memref<8x4096xf32, #tpu.memory_space<hbm>>
    tpu.enqueue_dma source(%arg8 : memref<8x4096xf32, #tpu.memory_space<vmem>>) target(%dma_start3A_244 : memref<8x4096xf32, #tpu.memory_space<hbm>>) target_semaphore(%arg14 : memref<!tpu.dma_semaphore, #tpu.memory_space<semaphore_mem>>)
    %add3A_245 = arith.constant 512 : i32
    %add3A_246 = arith.addi %add3A_245, %mul3A_5 : i32
    %dma_wait3A_247 = tpu.memref_slice %arg4[%add3A_246, %mul3A_3] : memref<1664x16384xf32, #tpu.memory_space<hbm>> -> memref<8x4096xf32, #tpu.memory_space<hbm>>
    %dma_wait3A_248 = tpu.memref_slice %arg4[%add3A_246, %mul3A_3] : memref<1664x16384xf32, #tpu.memory_space<hbm>> -> memref<8x4096xf32, #tpu.memory_space<hbm>>
    tpu.wait_dma2 semaphore(%arg14 : memref<!tpu.dma_semaphore, #tpu.memory_space<semaphore_mem>>) src(%arg8 : memref<8x4096xf32, #tpu.memory_space<vmem>>) dst(%dma_wait3A_248 : memref<8x4096xf32, #tpu.memory_space<hbm>>)
    %mul3A_249 = arith.constant 64 : i32
    %mul3A_250 = arith.muli %squeeze3A_32, %mul3A_249 : i32
    %multiple_of3A_251 = tpu.assume_multiple %mul3A_250, 8 : i32
    %add3A_252 = arith.addi %multiple_of3A_251, %mul3A_5 : i32
    %dma_start3A_253 = tpu.memref_slice %arg2[%add3A_252, %mul3A_3] : memref<6400x16384xf32, #tpu.memory_space<hbm>> -> memref<8x4096xf32, #tpu.memory_space<hbm>>
    %dma_start3A_254 = tpu.memref_slice %arg2[%add3A_252, %mul3A_3] : memref<6400x16384xf32, #tpu.memory_space<hbm>> -> memref<8x4096xf32, #tpu.memory_space<hbm>>
    tpu.enqueue_dma source(%dma_start3A_254 : memref<8x4096xf32, #tpu.memory_space<hbm>>) target(%arg8 : memref<8x4096xf32, #tpu.memory_space<vmem>>) target_semaphore(%arg11 : memref<!tpu.dma_semaphore, #tpu.memory_space<semaphore_mem>>)
    %mul3A_255 = arith.constant 64 : i32
    %mul3A_256 = arith.muli %squeeze3A_28, %mul3A_255 : i32
    %multiple_of3A_257 = tpu.assume_multiple %mul3A_256, 8 : i32
    %add3A_258 = arith.addi %multiple_of3A_257, %mul3A_5 : i32
    %dma_wait3A_259 = tpu.memref_slice %arg2[%add3A_258, %mul3A_3] : memref<6400x16384xf32, #tpu.memory_space<hbm>> -> memref<8x4096xf32, #tpu.memory_space<hbm>>
    %dma_wait3A_260 = tpu.memref_slice %arg2[%add3A_258, %mul3A_3] : memref<6400x16384xf32, #tpu.memory_space<hbm>> -> memref<8x4096xf32, #tpu.memory_space<hbm>>
    tpu.wait_dma2 semaphore(%arg9 : memref<!tpu.dma_semaphore, #tpu.memory_space<semaphore_mem>>) src(%dma_wait3A_260 : memref<8x4096xf32, #tpu.memory_space<hbm>>) dst(%arg6 : memref<8x4096xf32, #tpu.memory_space<vmem>>)
    %add3A_261 = arith.constant 576 : i32
    %add3A_262 = arith.addi %add3A_261, %mul3A_5 : i32
    %dma_start3A_263 = tpu.memref_slice %arg4[%add3A_262, %mul3A_3] : memref<1664x16384xf32, #tpu.memory_space<hbm>> -> memref<8x4096xf32, #tpu.memory_space<hbm>>
    %dma_start3A_264 = tpu.memref_slice %arg4[%add3A_262, %mul3A_3] : memref<1664x16384xf32, #tpu.memory_space<hbm>> -> memref<8x4096xf32, #tpu.memory_space<hbm>>
    tpu.enqueue_dma source(%arg6 : memref<8x4096xf32, #tpu.memory_space<vmem>>) target(%dma_start3A_264 : memref<8x4096xf32, #tpu.memory_space<hbm>>) target_semaphore(%arg12 : memref<!tpu.dma_semaphore, #tpu.memory_space<semaphore_mem>>)
    %add3A_265 = arith.constant 576 : i32
    %add3A_266 = arith.addi %add3A_265, %mul3A_5 : i32
    %dma_wait3A_267 = tpu.memref_slice %arg4[%add3A_266, %mul3A_3] : memref<1664x16384xf32, #tpu.memory_space<hbm>> -> memref<8x4096xf32, #tpu.memory_space<hbm>>
    %dma_wait3A_268 = tpu.memref_slice %arg4[%add3A_266, %mul3A_3] : memref<1664x16384xf32, #tpu.memory_space<hbm>> -> memref<8x4096xf32, #tpu.memory_space<hbm>>
    tpu.wait_dma2 semaphore(%arg12 : memref<!tpu.dma_semaphore, #tpu.memory_space<semaphore_mem>>) src(%arg6 : memref<8x4096xf32, #tpu.memory_space<vmem>>) dst(%dma_wait3A_268 : memref<8x4096xf32, #tpu.memory_space<hbm>>)
    %mul3A_269 = arith.constant 64 : i32
    %mul3A_270 = arith.muli %squeeze3A_34, %mul3A_269 : i32
    %multiple_of3A_271 = tpu.assume_multiple %mul3A_270, 8 : i32
    %add3A_272 = arith.addi %multiple_of3A_271, %mul3A_5 : i32
    %dma_start3A_273 = tpu.memref_slice %arg2[%add3A_272, %mul3A_3] : memref<6400x16384xf32, #tpu.memory_space<hbm>> -> memref<8x4096xf32, #tpu.memory_space<hbm>>
    %dma_start3A_274 = tpu.memref_slice %arg2[%add3A_272, %mul3A_3] : memref<6400x16384xf32, #tpu.memory_space<hbm>> -> memref<8x4096xf32, #tpu.memory_space<hbm>>
    tpu.enqueue_dma source(%dma_start3A_274 : memref<8x4096xf32, #tpu.memory_space<hbm>>) target(%arg6 : memref<8x4096xf32, #tpu.memory_space<vmem>>) target_semaphore(%arg9 : memref<!tpu.dma_semaphore, #tpu.memory_space<semaphore_mem>>)
    %mul3A_275 = arith.constant 64 : i32
    %mul3A_276 = arith.muli %squeeze3A_30, %mul3A_275 : i32
    %multiple_of3A_277 = tpu.assume_multiple %mul3A_276, 8 : i32
    %add3A_278 = arith.addi %multiple_of3A_277, %mul3A_5 : i32
    %dma_wait3A_279 = tpu.memref_slice %arg2[%add3A_278, %mul3A_3] : memref<6400x16384xf32, #tpu.memory_space<hbm>> -> memref<8x4096xf32, #tpu.memory_space<hbm>>
    %dma_wait3A_280 = tpu.memref_slice %arg2[%add3A_278, %mul3A_3] : memref<6400x16384xf32, #tpu.memory_space<hbm>> -> memref<8x4096xf32, #tpu.memory_space<hbm>>
    tpu.wait_dma2 semaphore(%arg10 : memref<!tpu.dma_semaphore, #tpu.memory_space<semaphore_mem>>) src(%dma_wait3A_280 : memref<8x4096xf32, #tpu.memory_space<hbm>>) dst(%arg7 : memref<8x4096xf32, #tpu.memory_space<vmem>>)
    %add3A_281 = arith.constant 640 : i32
    %add3A_282 = arith.addi %add3A_281, %mul3A_5 : i32
    %dma_start3A_283 = tpu.memref_slice %arg4[%add3A_282, %mul3A_3] : memref<1664x16384xf32, #tpu.memory_space<hbm>> -> memref<8x4096xf32, #tpu.memory_space<hbm>>
    %dma_start3A_284 = tpu.memref_slice %arg4[%add3A_282, %mul3A_3] : memref<1664x16384xf32, #tpu.memory_space<hbm>> -> memref<8x4096xf32, #tpu.memory_space<hbm>>
    tpu.enqueue_dma source(%arg7 : memref<8x4096xf32, #tpu.memory_space<vmem>>) target(%dma_start3A_284 : memref<8x4096xf32, #tpu.memory_space<hbm>>) target_semaphore(%arg13 : memref<!tpu.dma_semaphore, #tpu.memory_space<semaphore_mem>>)
    %add3A_285 = arith.constant 640 : i32
    %add3A_286 = arith.addi %add3A_285, %mul3A_5 : i32
    %dma_wait3A_287 = tpu.memref_slice %arg4[%add3A_286, %mul3A_3] : memref<1664x16384xf32, #tpu.memory_space<hbm>> -> memref<8x4096xf32, #tpu.memory_space<hbm>>
    %dma_wait3A_288 = tpu.memref_slice %arg4[%add3A_286, %mul3A_3] : memref<1664x16384xf32, #tpu.memory_space<hbm>> -> memref<8x4096xf32, #tpu.memory_space<hbm>>
    tpu.wait_dma2 semaphore(%arg13 : memref<!tpu.dma_semaphore, #tpu.memory_space<semaphore_mem>>) src(%arg7 : memref<8x4096xf32, #tpu.memory_space<vmem>>) dst(%dma_wait3A_288 : memref<8x4096xf32, #tpu.memory_space<hbm>>)
    %mul3A_289 = arith.constant 64 : i32
    %mul3A_290 = arith.muli %squeeze3A_36, %mul3A_289 : i32
    %multiple_of3A_291 = tpu.assume_multiple %mul3A_290, 8 : i32
    %add3A_292 = arith.addi %multiple_of3A_291, %mul3A_5 : i32
    %dma_start3A_293 = tpu.memref_slice %arg2[%add3A_292, %mul3A_3] : memref<6400x16384xf32, #tpu.memory_space<hbm>> -> memref<8x4096xf32, #tpu.memory_space<hbm>>
    %dma_start3A_294 = tpu.memref_slice %arg2[%add3A_292, %mul3A_3] : memref<6400x16384xf32, #tpu.memory_space<hbm>> -> memref<8x4096xf32, #tpu.memory_space<hbm>>
    tpu.enqueue_dma source(%dma_start3A_294 : memref<8x4096xf32, #tpu.memory_space<hbm>>) target(%arg7 : memref<8x4096xf32, #tpu.memory_space<vmem>>) target_semaphore(%arg10 : memref<!tpu.dma_semaphore, #tpu.memory_space<semaphore_mem>>)
    %mul3A_295 = arith.constant 64 : i32
    %mul3A_296 = arith.muli %squeeze3A_32, %mul3A_295 : i32
    %multiple_of3A_297 = tpu.assume_multiple %mul3A_296, 8 : i32
    %add3A_298 = arith.addi %multiple_of3A_297, %mul3A_5 : i32
    %dma_wait3A_299 = tpu.memref_slice %arg2[%add3A_298, %mul3A_3] : memref<6400x16384xf32, #tpu.memory_space<hbm>> -> memref<8x4096xf32, #tpu.memory_space<hbm>>
    %dma_wait3A_300 = tpu.memref_slice %arg2[%add3A_298, %mul3A_3] : memref<6400x16384xf32, #tpu.memory_space<hbm>> -> memref<8x4096xf32, #tpu.memory_space<hbm>>
    tpu.wait_dma2 semaphore(%arg11 : memref<!tpu.dma_semaphore, #tpu.memory_space<semaphore_mem>>) src(%dma_wait3A_300 : memref<8x4096xf32, #tpu.memory_space<hbm>>) dst(%arg8 : memref<8x4096xf32, #tpu.memory_space<vmem>>)
    %add3A_301 = arith.constant 704 : i32
    %add3A_302 = arith.addi %add3A_301, %mul3A_5 : i32
    %dma_start3A_303 = tpu.memref_slice %arg4[%add3A_302, %mul3A_3] : memref<1664x16384xf32, #tpu.memory_space<hbm>> -> memref<8x4096xf32, #tpu.memory_space<hbm>>
    %dma_start3A_304 = tpu.memref_slice %arg4[%add3A_302, %mul3A_3] : memref<1664x16384xf32, #tpu.memory_space<hbm>> -> memref<8x4096xf32, #tpu.memory_space<hbm>>
    tpu.enqueue_dma source(%arg8 : memref<8x4096xf32, #tpu.memory_space<vmem>>) target(%dma_start3A_304 : memref<8x4096xf32, #tpu.memory_space<hbm>>) target_semaphore(%arg14 : memref<!tpu.dma_semaphore, #tpu.memory_space<semaphore_mem>>)
    %add3A_305 = arith.constant 704 : i32
    %add3A_306 = arith.addi %add3A_305, %mul3A_5 : i32
    %dma_wait3A_307 = tpu.memref_slice %arg4[%add3A_306, %mul3A_3] : memref<1664x16384xf32, #tpu.memory_space<hbm>> -> memref<8x4096xf32, #tpu.memory_space<hbm>>
    %dma_wait3A_308 = tpu.memref_slice %arg4[%add3A_306, %mul3A_3] : memref<1664x16384xf32, #tpu.memory_space<hbm>> -> memref<8x4096xf32, #tpu.memory_space<hbm>>
    tpu.wait_dma2 semaphore(%arg14 : memref<!tpu.dma_semaphore, #tpu.memory_space<semaphore_mem>>) src(%arg8 : memref<8x4096xf32, #tpu.memory_space<vmem>>) dst(%dma_wait3A_308 : memref<8x4096xf32, #tpu.memory_space<hbm>>)
    %mul3A_309 = arith.constant 64 : i32
    %mul3A_310 = arith.muli %squeeze3A_38, %mul3A_309 : i32
    %multiple_of3A_311 = tpu.assume_multiple %mul3A_310, 8 : i32
    %add3A_312 = arith.addi %multiple_of3A_311, %mul3A_5 : i32
    %dma_start3A_313 = tpu.memref_slice %arg2[%add3A_312, %mul3A_3] : memref<6400x16384xf32, #tpu.memory_space<hbm>> -> memref<8x4096xf32, #tpu.memory_space<hbm>>
    %dma_start3A_314 = tpu.memref_slice %arg2[%add3A_312, %mul3A_3] : memref<6400x16384xf32, #tpu.memory_space<hbm>> -> memref<8x4096xf32, #tpu.memory_space<hbm>>
    tpu.enqueue_dma source(%dma_start3A_314 : memref<8x4096xf32, #tpu.memory_space<hbm>>) target(%arg8 : memref<8x4096xf32, #tpu.memory_space<vmem>>) target_semaphore(%arg11 : memref<!tpu.dma_semaphore, #tpu.memory_space<semaphore_mem>>)
    %mul3A_315 = arith.constant 64 : i32
    %mul3A_316 = arith.muli %squeeze3A_34, %mul3A_315 : i32
    %multiple_of3A_317 = tpu.assume_multiple %mul3A_316, 8 : i32
    %add3A_318 = arith.addi %multiple_of3A_317, %mul3A_5 : i32
    %dma_wait3A_319 = tpu.memref_slice %arg2[%add3A_318, %mul3A_3] : memref<6400x16384xf32, #tpu.memory_space<hbm>> -> memref<8x4096xf32, #tpu.memory_space<hbm>>
    %dma_wait3A_320 = tpu.memref_slice %arg2[%add3A_318, %mul3A_3] : memref<6400x16384xf32, #tpu.memory_space<hbm>> -> memref<8x4096xf32, #tpu.memory_space<hbm>>
    tpu.wait_dma2 semaphore(%arg9 : memref<!tpu.dma_semaphore, #tpu.memory_space<semaphore_mem>>) src(%dma_wait3A_320 : memref<8x4096xf32, #tpu.memory_space<hbm>>) dst(%arg6 : memref<8x4096xf32, #tpu.memory_space<vmem>>)
    %add3A_321 = arith.constant 768 : i32
    %add3A_322 = arith.addi %add3A_321, %mul3A_5 : i32
    %dma_start3A_323 = tpu.memref_slice %arg4[%add3A_322, %mul3A_3] : memref<1664x16384xf32, #tpu.memory_space<hbm>> -> memref<8x4096xf32, #tpu.memory_space<hbm>>
    %dma_start3A_324 = tpu.memref_slice %arg4[%add3A_322, %mul3A_3] : memref<1664x16384xf32, #tpu.memory_space<hbm>> -> memref<8x4096xf32, #tpu.memory_space<hbm>>
    tpu.enqueue_dma source(%arg6 : memref<8x4096xf32, #tpu.memory_space<vmem>>) target(%dma_start3A_324 : memref<8x4096xf32, #tpu.memory_space<hbm>>) target_semaphore(%arg12 : memref<!tpu.dma_semaphore, #tpu.memory_space<semaphore_mem>>)
    %add3A_325 = arith.constant 768 : i32
    %add3A_326 = arith.addi %add3A_325, %mul3A_5 : i32
    %dma_wait3A_327 = tpu.memref_slice %arg4[%add3A_326, %mul3A_3] : memref<1664x16384xf32, #tpu.memory_space<hbm>> -> memref<8x4096xf32, #tpu.memory_space<hbm>>
    %dma_wait3A_328 = tpu.memref_slice %arg4[%add3A_326, %mul3A_3] : memref<1664x16384xf32, #tpu.memory_space<hbm>> -> memref<8x4096xf32, #tpu.memory_space<hbm>>
    tpu.wait_dma2 semaphore(%arg12 : memref<!tpu.dma_semaphore, #tpu.memory_space<semaphore_mem>>) src(%arg6 : memref<8x4096xf32, #tpu.memory_space<vmem>>) dst(%dma_wait3A_328 : memref<8x4096xf32, #tpu.memory_space<hbm>>)
    %mul3A_329 = arith.constant 64 : i32
    %mul3A_330 = arith.muli %squeeze3A_40, %mul3A_329 : i32
    %multiple_of3A_331 = tpu.assume_multiple %mul3A_330, 8 : i32
    %add3A_332 = arith.addi %multiple_of3A_331, %mul3A_5 : i32
    %dma_start3A_333 = tpu.memref_slice %arg2[%add3A_332, %mul3A_3] : memref<6400x16384xf32, #tpu.memory_space<hbm>> -> memref<8x4096xf32, #tpu.memory_space<hbm>>
    %dma_start3A_334 = tpu.memref_slice %arg2[%add3A_332, %mul3A_3] : memref<6400x16384xf32, #tpu.memory_space<hbm>> -> memref<8x4096xf32, #tpu.memory_space<hbm>>
    tpu.enqueue_dma source(%dma_start3A_334 : memref<8x4096xf32, #tpu.memory_space<hbm>>) target(%arg6 : memref<8x4096xf32, #tpu.memory_space<vmem>>) target_semaphore(%arg9 : memref<!tpu.dma_semaphore, #tpu.memory_space<semaphore_mem>>)
    %mul3A_335 = arith.constant 64 : i32
    %mul3A_336 = arith.muli %squeeze3A_36, %mul3A_335 : i32
    %multiple_of3A_337 = tpu.assume_multiple %mul3A_336, 8 : i32
    %add3A_338 = arith.addi %multiple_of3A_337, %mul3A_5 : i32
    %dma_wait3A_339 = tpu.memref_slice %arg2[%add3A_338, %mul3A_3] : memref<6400x16384xf32, #tpu.memory_space<hbm>> -> memref<8x4096xf32, #tpu.memory_space<hbm>>
    %dma_wait3A_340 = tpu.memref_slice %arg2[%add3A_338, %mul3A_3] : memref<6400x16384xf32, #tpu.memory_space<hbm>> -> memref<8x4096xf32, #tpu.memory_space<hbm>>
    tpu.wait_dma2 semaphore(%arg10 : memref<!tpu.dma_semaphore, #tpu.memory_space<semaphore_mem>>) src(%dma_wait3A_340 : memref<8x4096xf32, #tpu.memory_space<hbm>>) dst(%arg7 : memref<8x4096xf32, #tpu.memory_space<vmem>>)
    %add3A_341 = arith.constant 832 : i32
    %add3A_342 = arith.addi %add3A_341, %mul3A_5 : i32
    %dma_start3A_343 = tpu.memref_slice %arg4[%add3A_342, %mul3A_3] : memref<1664x16384xf32, #tpu.memory_space<hbm>> -> memref<8x4096xf32, #tpu.memory_space<hbm>>
    %dma_start3A_344 = tpu.memref_slice %arg4[%add3A_342, %mul3A_3] : memref<1664x16384xf32, #tpu.memory_space<hbm>> -> memref<8x4096xf32, #tpu.memory_space<hbm>>
    tpu.enqueue_dma source(%arg7 : memref<8x4096xf32, #tpu.memory_space<vmem>>) target(%dma_start3A_344 : memref<8x4096xf32, #tpu.memory_space<hbm>>) target_semaphore(%arg13 : memref<!tpu.dma_semaphore, #tpu.memory_space<semaphore_mem>>)
    %add3A_345 = arith.constant 832 : i32
    %add3A_346 = arith.addi %add3A_345, %mul3A_5 : i32
    %dma_wait3A_347 = tpu.memref_slice %arg4[%add3A_346, %mul3A_3] : memref<1664x16384xf32, #tpu.memory_space<hbm>> -> memref<8x4096xf32, #tpu.memory_space<hbm>>
    %dma_wait3A_348 = tpu.memref_slice %arg4[%add3A_346, %mul3A_3] : memref<1664x16384xf32, #tpu.memory_space<hbm>> -> memref<8x4096xf32, #tpu.memory_space<hbm>>
    tpu.wait_dma2 semaphore(%arg13 : memref<!tpu.dma_semaphore, #tpu.memory_space<semaphore_mem>>) src(%arg7 : memref<8x4096xf32, #tpu.memory_space<vmem>>) dst(%dma_wait3A_348 : memref<8x4096xf32, #tpu.memory_space<hbm>>)
    %mul3A_349 = arith.constant 64 : i32
    %mul3A_350 = arith.muli %squeeze3A_42, %mul3A_349 : i32
    %multiple_of3A_351 = tpu.assume_multiple %mul3A_350, 8 : i32
    %add3A_352 = arith.addi %multiple_of3A_351, %mul3A_5 : i32
    %dma_start3A_353 = tpu.memref_slice %arg2[%add3A_352, %mul3A_3] : memref<6400x16384xf32, #tpu.memory_space<hbm>> -> memref<8x4096xf32, #tpu.memory_space<hbm>>
    %dma_start3A_354 = tpu.memref_slice %arg2[%add3A_352, %mul3A_3] : memref<6400x16384xf32, #tpu.memory_space<hbm>> -> memref<8x4096xf32, #tpu.memory_space<hbm>>
    tpu.enqueue_dma source(%dma_start3A_354 : memref<8x4096xf32, #tpu.memory_space<hbm>>) target(%arg7 : memref<8x4096xf32, #tpu.memory_space<vmem>>) target_semaphore(%arg10 : memref<!tpu.dma_semaphore, #tpu.memory_space<semaphore_mem>>)
    %mul3A_355 = arith.constant 64 : i32
    %mul3A_356 = arith.muli %squeeze3A_38, %mul3A_355 : i32
    %multiple_of3A_357 = tpu.assume_multiple %mul3A_356, 8 : i32
    %add3A_358 = arith.addi %multiple_of3A_357, %mul3A_5 : i32
    %dma_wait3A_359 = tpu.memref_slice %arg2[%add3A_358, %mul3A_3] : memref<6400x16384xf32, #tpu.memory_space<hbm>> -> memref<8x4096xf32, #tpu.memory_space<hbm>>
    %dma_wait3A_360 = tpu.memref_slice %arg2[%add3A_358, %mul3A_3] : memref<6400x16384xf32, #tpu.memory_space<hbm>> -> memref<8x4096xf32, #tpu.memory_space<hbm>>
    tpu.wait_dma2 semaphore(%arg11 : memref<!tpu.dma_semaphore, #tpu.memory_space<semaphore_mem>>) src(%dma_wait3A_360 : memref<8x4096xf32, #tpu.memory_space<hbm>>) dst(%arg8 : memref<8x4096xf32, #tpu.memory_space<vmem>>)
    %add3A_361 = arith.constant 896 : i32
    %add3A_362 = arith.addi %add3A_361, %mul3A_5 : i32
    %dma_start3A_363 = tpu.memref_slice %arg4[%add3A_362, %mul3A_3] : memref<1664x16384xf32, #tpu.memory_space<hbm>> -> memref<8x4096xf32, #tpu.memory_space<hbm>>
    %dma_start3A_364 = tpu.memref_slice %arg4[%add3A_362, %mul3A_3] : memref<1664x16384xf32, #tpu.memory_space<hbm>> -> memref<8x4096xf32, #tpu.memory_space<hbm>>
    tpu.enqueue_dma source(%arg8 : memref<8x4096xf32, #tpu.memory_space<vmem>>) target(%dma_start3A_364 : memref<8x4096xf32, #tpu.memory_space<hbm>>) target_semaphore(%arg14 : memref<!tpu.dma_semaphore, #tpu.memory_space<semaphore_mem>>)
    %add3A_365 = arith.constant 896 : i32
    %add3A_366 = arith.addi %add3A_365, %mul3A_5 : i32
    %dma_wait3A_367 = tpu.memref_slice %arg4[%add3A_366, %mul3A_3] : memref<1664x16384xf32, #tpu.memory_space<hbm>> -> memref<8x4096xf32, #tpu.memory_space<hbm>>
    %dma_wait3A_368 = tpu.memref_slice %arg4[%add3A_366, %mul3A_3] : memref<1664x16384xf32, #tpu.memory_space<hbm>> -> memref<8x4096xf32, #tpu.memory_space<hbm>>
    tpu.wait_dma2 semaphore(%arg14 : memref<!tpu.dma_semaphore, #tpu.memory_space<semaphore_mem>>) src(%arg8 : memref<8x4096xf32, #tpu.memory_space<vmem>>) dst(%dma_wait3A_368 : memref<8x4096xf32, #tpu.memory_space<hbm>>)
    %mul3A_369 = arith.constant 64 : i32
    %mul3A_370 = arith.muli %squeeze3A_44, %mul3A_369 : i32
    %multiple_of3A_371 = tpu.assume_multiple %mul3A_370, 8 : i32
    %add3A_372 = arith.addi %multiple_of3A_371, %mul3A_5 : i32
    %dma_start3A_373 = tpu.memref_slice %arg2[%add3A_372, %mul3A_3] : memref<6400x16384xf32, #tpu.memory_space<hbm>> -> memref<8x4096xf32, #tpu.memory_space<hbm>>
    %dma_start3A_374 = tpu.memref_slice %arg2[%add3A_372, %mul3A_3] : memref<6400x16384xf32, #tpu.memory_space<hbm>> -> memref<8x4096xf32, #tpu.memory_space<hbm>>
    tpu.enqueue_dma source(%dma_start3A_374 : memref<8x4096xf32, #tpu.memory_space<hbm>>) target(%arg8 : memref<8x4096xf32, #tpu.memory_space<vmem>>) target_semaphore(%arg11 : memref<!tpu.dma_semaphore, #tpu.memory_space<semaphore_mem>>)
    %mul3A_375 = arith.constant 64 : i32
    %mul3A_376 = arith.muli %squeeze3A_40, %mul3A_375 : i32
    %multiple_of3A_377 = tpu.assume_multiple %mul3A_376, 8 : i32
    %add3A_378 = arith.addi %multiple_of3A_377, %mul3A_5 : i32
    %dma_wait3A_379 = tpu.memref_slice %arg2[%add3A_378, %mul3A_3] : memref<6400x16384xf32, #tpu.memory_space<hbm>> -> memref<8x4096xf32, #tpu.memory_space<hbm>>
    %dma_wait3A_380 = tpu.memref_slice %arg2[%add3A_378, %mul3A_3] : memref<6400x16384xf32, #tpu.memory_space<hbm>> -> memref<8x4096xf32, #tpu.memory_space<hbm>>
    tpu.wait_dma2 semaphore(%arg9 : memref<!tpu.dma_semaphore, #tpu.memory_space<semaphore_mem>>) src(%dma_wait3A_380 : memref<8x4096xf32, #tpu.memory_space<hbm>>) dst(%arg6 : memref<8x4096xf32, #tpu.memory_space<vmem>>)
    %add3A_381 = arith.constant 960 : i32
    %add3A_382 = arith.addi %add3A_381, %mul3A_5 : i32
    %dma_start3A_383 = tpu.memref_slice %arg4[%add3A_382, %mul3A_3] : memref<1664x16384xf32, #tpu.memory_space<hbm>> -> memref<8x4096xf32, #tpu.memory_space<hbm>>
    %dma_start3A_384 = tpu.memref_slice %arg4[%add3A_382, %mul3A_3] : memref<1664x16384xf32, #tpu.memory_space<hbm>> -> memref<8x4096xf32, #tpu.memory_space<hbm>>
    tpu.enqueue_dma source(%arg6 : memref<8x4096xf32, #tpu.memory_space<vmem>>) target(%dma_start3A_384 : memref<8x4096xf32, #tpu.memory_space<hbm>>) target_semaphore(%arg12 : memref<!tpu.dma_semaphore, #tpu.memory_space<semaphore_mem>>)
    %add3A_385 = arith.constant 960 : i32
    %add3A_386 = arith.addi %add3A_385, %mul3A_5 : i32
    %dma_wait3A_387 = tpu.memref_slice %arg4[%add3A_386, %mul3A_3] : memref<1664x16384xf32, #tpu.memory_space<hbm>> -> memref<8x4096xf32, #tpu.memory_space<hbm>>
    %dma_wait3A_388 = tpu.memref_slice %arg4[%add3A_386, %mul3A_3] : memref<1664x16384xf32, #tpu.memory_space<hbm>> -> memref<8x4096xf32, #tpu.memory_space<hbm>>
    tpu.wait_dma2 semaphore(%arg12 : memref<!tpu.dma_semaphore, #tpu.memory_space<semaphore_mem>>) src(%arg6 : memref<8x4096xf32, #tpu.memory_space<vmem>>) dst(%dma_wait3A_388 : memref<8x4096xf32, #tpu.memory_space<hbm>>)
    %mul3A_389 = arith.constant 64 : i32
    %mul3A_390 = arith.muli %squeeze3A_46, %mul3A_389 : i32
    %multiple_of3A_391 = tpu.assume_multiple %mul3A_390, 8 : i32
    %add3A_392 = arith.addi %multiple_of3A_391, %mul3A_5 : i32
    %dma_start3A_393 = tpu.memref_slice %arg2[%add3A_392, %mul3A_3] : memref<6400x16384xf32, #tpu.memory_space<hbm>> -> memref<8x4096xf32, #tpu.memory_space<hbm>>
    %dma_start3A_394 = tpu.memref_slice %arg2[%add3A_392, %mul3A_3] : memref<6400x16384xf32, #tpu.memory_space<hbm>> -> memref<8x4096xf32, #tpu.memory_space<hbm>>
    tpu.enqueue_dma source(%dma_start3A_394 : memref<8x4096xf32, #tpu.memory_space<hbm>>) target(%arg6 : memref<8x4096xf32, #tpu.memory_space<vmem>>) target_semaphore(%arg9 : memref<!tpu.dma_semaphore, #tpu.memory_space<semaphore_mem>>)
    %mul3A_395 = arith.constant 64 : i32
    %mul3A_396 = arith.muli %squeeze3A_42, %mul3A_395 : i32
    %multiple_of3A_397 = tpu.assume_multiple %mul3A_396, 8 : i32
    %add3A_398 = arith.addi %multiple_of3A_397, %mul3A_5 : i32
    %dma_wait3A_399 = tpu.memref_slice %arg2[%add3A_398, %mul3A_3] : memref<6400x16384xf32, #tpu.memory_space<hbm>> -> memref<8x4096xf32, #tpu.memory_space<hbm>>
    %dma_wait3A_400 = tpu.memref_slice %arg2[%add3A_398, %mul3A_3] : memref<6400x16384xf32, #tpu.memory_space<hbm>> -> memref<8x4096xf32, #tpu.memory_space<hbm>>
    tpu.wait_dma2 semaphore(%arg10 : memref<!tpu.dma_semaphore, #tpu.memory_space<semaphore_mem>>) src(%dma_wait3A_400 : memref<8x4096xf32, #tpu.memory_space<hbm>>) dst(%arg7 : memref<8x4096xf32, #tpu.memory_space<vmem>>)
    %add3A_401 = arith.constant 1024 : i32
    %add3A_402 = arith.addi %add3A_401, %mul3A_5 : i32
    %dma_start3A_403 = tpu.memref_slice %arg4[%add3A_402, %mul3A_3] : memref<1664x16384xf32, #tpu.memory_space<hbm>> -> memref<8x4096xf32, #tpu.memory_space<hbm>>
    %dma_start3A_404 = tpu.memref_slice %arg4[%add3A_402, %mul3A_3] : memref<1664x16384xf32, #tpu.memory_space<hbm>> -> memref<8x4096xf32, #tpu.memory_space<hbm>>
    tpu.enqueue_dma source(%arg7 : memref<8x4096xf32, #tpu.memory_space<vmem>>) target(%dma_start3A_404 : memref<8x4096xf32, #tpu.memory_space<hbm>>) target_semaphore(%arg13 : memref<!tpu.dma_semaphore, #tpu.memory_space<semaphore_mem>>)
    %add3A_405 = arith.constant 1024 : i32
    %add3A_406 = arith.addi %add3A_405, %mul3A_5 : i32
    %dma_wait3A_407 = tpu.memref_slice %arg4[%add3A_406, %mul3A_3] : memref<1664x16384xf32, #tpu.memory_space<hbm>> -> memref<8x4096xf32, #tpu.memory_space<hbm>>
    %dma_wait3A_408 = tpu.memref_slice %arg4[%add3A_406, %mul3A_3] : memref<1664x16384xf32, #tpu.memory_space<hbm>> -> memref<8x4096xf32, #tpu.memory_space<hbm>>
    tpu.wait_dma2 semaphore(%arg13 : memref<!tpu.dma_semaphore, #tpu.memory_space<semaphore_mem>>) src(%arg7 : memref<8x4096xf32, #tpu.memory_space<vmem>>) dst(%dma_wait3A_408 : memref<8x4096xf32, #tpu.memory_space<hbm>>)
    %mul3A_409 = arith.constant 64 : i32
    %mul3A_410 = arith.muli %squeeze3A_48, %mul3A_409 : i32
    %multiple_of3A_411 = tpu.assume_multiple %mul3A_410, 8 : i32
    %add3A_412 = arith.addi %multiple_of3A_411, %mul3A_5 : i32
    %dma_start3A_413 = tpu.memref_slice %arg2[%add3A_412, %mul3A_3] : memref<6400x16384xf32, #tpu.memory_space<hbm>> -> memref<8x4096xf32, #tpu.memory_space<hbm>>
    %dma_start3A_414 = tpu.memref_slice %arg2[%add3A_412, %mul3A_3] : memref<6400x16384xf32, #tpu.memory_space<hbm>> -> memref<8x4096xf32, #tpu.memory_space<hbm>>
    tpu.enqueue_dma source(%dma_start3A_414 : memref<8x4096xf32, #tpu.memory_space<hbm>>) target(%arg7 : memref<8x4096xf32, #tpu.memory_space<vmem>>) target_semaphore(%arg10 : memref<!tpu.dma_semaphore, #tpu.memory_space<semaphore_mem>>)
    %mul3A_415 = arith.constant 64 : i32
    %mul3A_416 = arith.muli %squeeze3A_44, %mul3A_415 : i32
    %multiple_of3A_417 = tpu.assume_multiple %mul3A_416, 8 : i32
    %add3A_418 = arith.addi %multiple_of3A_417, %mul3A_5 : i32
    %dma_wait3A_419 = tpu.memref_slice %arg2[%add3A_418, %mul3A_3] : memref<6400x16384xf32, #tpu.memory_space<hbm>> -> memref<8x4096xf32, #tpu.memory_space<hbm>>
    %dma_wait3A_420 = tpu.memref_slice %arg2[%add3A_418, %mul3A_3] : memref<6400x16384xf32, #tpu.memory_space<hbm>> -> memref<8x4096xf32, #tpu.memory_space<hbm>>
    tpu.wait_dma2 semaphore(%arg11 : memref<!tpu.dma_semaphore, #tpu.memory_space<semaphore_mem>>) src(%dma_wait3A_420 : memref<8x4096xf32, #tpu.memory_space<hbm>>) dst(%arg8 : memref<8x4096xf32, #tpu.memory_space<vmem>>)
    %add3A_421 = arith.constant 1088 : i32
    %add3A_422 = arith.addi %add3A_421, %mul3A_5 : i32
    %dma_start3A_423 = tpu.memref_slice %arg4[%add3A_422, %mul3A_3] : memref<1664x16384xf32, #tpu.memory_space<hbm>> -> memref<8x4096xf32, #tpu.memory_space<hbm>>
    %dma_start3A_424 = tpu.memref_slice %arg4[%add3A_422, %mul3A_3] : memref<1664x16384xf32, #tpu.memory_space<hbm>> -> memref<8x4096xf32, #tpu.memory_space<hbm>>
    tpu.enqueue_dma source(%arg8 : memref<8x4096xf32, #tpu.memory_space<vmem>>) target(%dma_start3A_424 : memref<8x4096xf32, #tpu.memory_space<hbm>>) target_semaphore(%arg14 : memref<!tpu.dma_semaphore, #tpu.memory_space<semaphore_mem>>)
    %add3A_425 = arith.constant 1088 : i32
    %add3A_426 = arith.addi %add3A_425, %mul3A_5 : i32
    %dma_wait3A_427 = tpu.memref_slice %arg4[%add3A_426, %mul3A_3] : memref<1664x16384xf32, #tpu.memory_space<hbm>> -> memref<8x4096xf32, #tpu.memory_space<hbm>>
    %dma_wait3A_428 = tpu.memref_slice %arg4[%add3A_426, %mul3A_3] : memref<1664x16384xf32, #tpu.memory_space<hbm>> -> memref<8x4096xf32, #tpu.memory_space<hbm>>
    tpu.wait_dma2 semaphore(%arg14 : memref<!tpu.dma_semaphore, #tpu.memory_space<semaphore_mem>>) src(%arg8 : memref<8x4096xf32, #tpu.memory_space<vmem>>) dst(%dma_wait3A_428 : memref<8x4096xf32, #tpu.memory_space<hbm>>)
    %mul3A_429 = arith.constant 64 : i32
    %mul3A_430 = arith.muli %squeeze3A_50, %mul3A_429 : i32
    %multiple_of3A_431 = tpu.assume_multiple %mul3A_430, 8 : i32
    %add3A_432 = arith.addi %multiple_of3A_431, %mul3A_5 : i32
    %dma_start3A_433 = tpu.memref_slice %arg2[%add3A_432, %mul3A_3] : memref<6400x16384xf32, #tpu.memory_space<hbm>> -> memref<8x4096xf32, #tpu.memory_space<hbm>>
    %dma_start3A_434 = tpu.memref_slice %arg2[%add3A_432, %mul3A_3] : memref<6400x16384xf32, #tpu.memory_space<hbm>> -> memref<8x4096xf32, #tpu.memory_space<hbm>>
    tpu.enqueue_dma source(%dma_start3A_434 : memref<8x4096xf32, #tpu.memory_space<hbm>>) target(%arg8 : memref<8x4096xf32, #tpu.memory_space<vmem>>) target_semaphore(%arg11 : memref<!tpu.dma_semaphore, #tpu.memory_space<semaphore_mem>>)
    %mul3A_435 = arith.constant 64 : i32
    %mul3A_436 = arith.muli %squeeze3A_46, %mul3A_435 : i32
    %multiple_of3A_437 = tpu.assume_multiple %mul3A_436, 8 : i32
    %add3A_438 = arith.addi %multiple_of3A_437, %mul3A_5 : i32
    %dma_wait3A_439 = tpu.memref_slice %arg2[%add3A_438, %mul3A_3] : memref<6400x16384xf32, #tpu.memory_space<hbm>> -> memref<8x4096xf32, #tpu.memory_space<hbm>>
    %dma_wait3A_440 = tpu.memref_slice %arg2[%add3A_438, %mul3A_3] : memref<6400x16384xf32, #tpu.memory_space<hbm>> -> memref<8x4096xf32, #tpu.memory_space<hbm>>
    tpu.wait_dma2 semaphore(%arg9 : memref<!tpu.dma_semaphore, #tpu.memory_space<semaphore_mem>>) src(%dma_wait3A_440 : memref<8x4096xf32, #tpu.memory_space<hbm>>) dst(%arg6 : memref<8x4096xf32, #tpu.memory_space<vmem>>)
    %add3A_441 = arith.constant 1152 : i32
    %add3A_442 = arith.addi %add3A_441, %mul3A_5 : i32
    %dma_start3A_443 = tpu.memref_slice %arg4[%add3A_442, %mul3A_3] : memref<1664x16384xf32, #tpu.memory_space<hbm>> -> memref<8x4096xf32, #tpu.memory_space<hbm>>
    %dma_start3A_444 = tpu.memref_slice %arg4[%add3A_442, %mul3A_3] : memref<1664x16384xf32, #tpu.memory_space<hbm>> -> memref<8x4096xf32, #tpu.memory_space<hbm>>
    tpu.enqueue_dma source(%arg6 : memref<8x4096xf32, #tpu.memory_space<vmem>>) target(%dma_start3A_444 : memref<8x4096xf32, #tpu.memory_space<hbm>>) target_semaphore(%arg12 : memref<!tpu.dma_semaphore, #tpu.memory_space<semaphore_mem>>)
    %add3A_445 = arith.constant 1152 : i32
    %add3A_446 = arith.addi %add3A_445, %mul3A_5 : i32
    %dma_wait3A_447 = tpu.memref_slice %arg4[%add3A_446, %mul3A_3] : memref<1664x16384xf32, #tpu.memory_space<hbm>> -> memref<8x4096xf32, #tpu.memory_space<hbm>>
    %dma_wait3A_448 = tpu.memref_slice %arg4[%add3A_446, %mul3A_3] : memref<1664x16384xf32, #tpu.memory_space<hbm>> -> memref<8x4096xf32, #tpu.memory_space<hbm>>
    tpu.wait_dma2 semaphore(%arg12 : memref<!tpu.dma_semaphore, #tpu.memory_space<semaphore_mem>>) src(%arg6 : memref<8x4096xf32, #tpu.memory_space<vmem>>) dst(%dma_wait3A_448 : memref<8x4096xf32, #tpu.memory_space<hbm>>)
    %mul3A_449 = arith.constant 64 : i32
    %mul3A_450 = arith.muli %squeeze3A_52, %mul3A_449 : i32
    %multiple_of3A_451 = tpu.assume_multiple %mul3A_450, 8 : i32
    %add3A_452 = arith.addi %multiple_of3A_451, %mul3A_5 : i32
    %dma_start3A_453 = tpu.memref_slice %arg2[%add3A_452, %mul3A_3] : memref<6400x16384xf32, #tpu.memory_space<hbm>> -> memref<8x4096xf32, #tpu.memory_space<hbm>>
    %dma_start3A_454 = tpu.memref_slice %arg2[%add3A_452, %mul3A_3] : memref<6400x16384xf32, #tpu.memory_space<hbm>> -> memref<8x4096xf32, #tpu.memory_space<hbm>>
    tpu.enqueue_dma source(%dma_start3A_454 : memref<8x4096xf32, #tpu.memory_space<hbm>>) target(%arg6 : memref<8x4096xf32, #tpu.memory_space<vmem>>) target_semaphore(%arg9 : memref<!tpu.dma_semaphore, #tpu.memory_space<semaphore_mem>>)
    %mul3A_455 = arith.constant 64 : i32
    %mul3A_456 = arith.muli %squeeze3A_48, %mul3A_455 : i32
    %multiple_of3A_457 = tpu.assume_multiple %mul3A_456, 8 : i32
    %add3A_458 = arith.addi %multiple_of3A_457, %mul3A_5 : i32
    %dma_wait3A_459 = tpu.memref_slice %arg2[%add3A_458, %mul3A_3] : memref<6400x16384xf32, #tpu.memory_space<hbm>> -> memref<8x4096xf32, #tpu.memory_space<hbm>>
    %dma_wait3A_460 = tpu.memref_slice %arg2[%add3A_458, %mul3A_3] : memref<6400x16384xf32, #tpu.memory_space<hbm>> -> memref<8x4096xf32, #tpu.memory_space<hbm>>
    tpu.wait_dma2 semaphore(%arg10 : memref<!tpu.dma_semaphore, #tpu.memory_space<semaphore_mem>>) src(%dma_wait3A_460 : memref<8x4096xf32, #tpu.memory_space<hbm>>) dst(%arg7 : memref<8x4096xf32, #tpu.memory_space<vmem>>)
    %add3A_461 = arith.constant 1216 : i32
    %add3A_462 = arith.addi %add3A_461, %mul3A_5 : i32
    %dma_start3A_463 = tpu.memref_slice %arg4[%add3A_462, %mul3A_3] : memref<1664x16384xf32, #tpu.memory_space<hbm>> -> memref<8x4096xf32, #tpu.memory_space<hbm>>
    %dma_start3A_464 = tpu.memref_slice %arg4[%add3A_462, %mul3A_3] : memref<1664x16384xf32, #tpu.memory_space<hbm>> -> memref<8x4096xf32, #tpu.memory_space<hbm>>
    tpu.enqueue_dma source(%arg7 : memref<8x4096xf32, #tpu.memory_space<vmem>>) target(%dma_start3A_464 : memref<8x4096xf32, #tpu.memory_space<hbm>>) target_semaphore(%arg13 : memref<!tpu.dma_semaphore, #tpu.memory_space<semaphore_mem>>)
    %add3A_465 = arith.constant 1216 : i32
    %add3A_466 = arith.addi %add3A_465, %mul3A_5 : i32
    %dma_wait3A_467 = tpu.memref_slice %arg4[%add3A_466, %mul3A_3] : memref<1664x16384xf32, #tpu.memory_space<hbm>> -> memref<8x4096xf32, #tpu.memory_space<hbm>>
    %dma_wait3A_468 = tpu.memref_slice %arg4[%add3A_466, %mul3A_3] : memref<1664x16384xf32, #tpu.memory_space<hbm>> -> memref<8x4096xf32, #tpu.memory_space<hbm>>
    tpu.wait_dma2 semaphore(%arg13 : memref<!tpu.dma_semaphore, #tpu.memory_space<semaphore_mem>>) src(%arg7 : memref<8x4096xf32, #tpu.memory_space<vmem>>) dst(%dma_wait3A_468 : memref<8x4096xf32, #tpu.memory_space<hbm>>)
    %mul3A_469 = arith.constant 64 : i32
    %mul3A_470 = arith.muli %squeeze3A_54, %mul3A_469 : i32
    %multiple_of3A_471 = tpu.assume_multiple %mul3A_470, 8 : i32
    %add3A_472 = arith.addi %multiple_of3A_471, %mul3A_5 : i32
    %dma_start3A_473 = tpu.memref_slice %arg2[%add3A_472, %mul3A_3] : memref<6400x16384xf32, #tpu.memory_space<hbm>> -> memref<8x4096xf32, #tpu.memory_space<hbm>>
    %dma_start3A_474 = tpu.memref_slice %arg2[%add3A_472, %mul3A_3] : memref<6400x16384xf32, #tpu.memory_space<hbm>> -> memref<8x4096xf32, #tpu.memory_space<hbm>>
    tpu.enqueue_dma source(%dma_start3A_474 : memref<8x4096xf32, #tpu.memory_space<hbm>>) target(%arg7 : memref<8x4096xf32, #tpu.memory_space<vmem>>) target_semaphore(%arg10 : memref<!tpu.dma_semaphore, #tpu.memory_space<semaphore_mem>>)
    %mul3A_475 = arith.constant 64 : i32
    %mul3A_476 = arith.muli %squeeze3A_50, %mul3A_475 : i32
    %multiple_of3A_477 = tpu.assume_multiple %mul3A_476, 8 : i32
    %add3A_478 = arith.addi %multiple_of3A_477, %mul3A_5 : i32
    %dma_wait3A_479 = tpu.memref_slice %arg2[%add3A_478, %mul3A_3] : memref<6400x16384xf32, #tpu.memory_space<hbm>> -> memref<8x4096xf32, #tpu.memory_space<hbm>>
    %dma_wait3A_480 = tpu.memref_slice %arg2[%add3A_478, %mul3A_3] : memref<6400x16384xf32, #tpu.memory_space<hbm>> -> memref<8x4096xf32, #tpu.memory_space<hbm>>
    tpu.wait_dma2 semaphore(%arg11 : memref<!tpu.dma_semaphore, #tpu.memory_space<semaphore_mem>>) src(%dma_wait3A_480 : memref<8x4096xf32, #tpu.memory_space<hbm>>) dst(%arg8 : memref<8x4096xf32, #tpu.memory_space<vmem>>)
    %add3A_481 = arith.constant 1280 : i32
    %add3A_482 = arith.addi %add3A_481, %mul3A_5 : i32
    %dma_start3A_483 = tpu.memref_slice %arg4[%add3A_482, %mul3A_3] : memref<1664x16384xf32, #tpu.memory_space<hbm>> -> memref<8x4096xf32, #tpu.memory_space<hbm>>
    %dma_start3A_484 = tpu.memref_slice %arg4[%add3A_482, %mul3A_3] : memref<1664x16384xf32, #tpu.memory_space<hbm>> -> memref<8x4096xf32, #tpu.memory_space<hbm>>
    tpu.enqueue_dma source(%arg8 : memref<8x4096xf32, #tpu.memory_space<vmem>>) target(%dma_start3A_484 : memref<8x4096xf32, #tpu.memory_space<hbm>>) target_semaphore(%arg14 : memref<!tpu.dma_semaphore, #tpu.memory_space<semaphore_mem>>)
    %add3A_485 = arith.constant 1280 : i32
    %add3A_486 = arith.addi %add3A_485, %mul3A_5 : i32
    %dma_wait3A_487 = tpu.memref_slice %arg4[%add3A_486, %mul3A_3] : memref<1664x16384xf32, #tpu.memory_space<hbm>> -> memref<8x4096xf32, #tpu.memory_space<hbm>>
    %dma_wait3A_488 = tpu.memref_slice %arg4[%add3A_486, %mul3A_3] : memref<1664x16384xf32, #tpu.memory_space<hbm>> -> memref<8x4096xf32, #tpu.memory_space<hbm>>
    tpu.wait_dma2 semaphore(%arg14 : memref<!tpu.dma_semaphore, #tpu.memory_space<semaphore_mem>>) src(%arg8 : memref<8x4096xf32, #tpu.memory_space<vmem>>) dst(%dma_wait3A_488 : memref<8x4096xf32, #tpu.memory_space<hbm>>)
    %mul3A_489 = arith.constant 64 : i32
    %mul3A_490 = arith.muli %squeeze3A_56, %mul3A_489 : i32
    %multiple_of3A_491 = tpu.assume_multiple %mul3A_490, 8 : i32
    %add3A_492 = arith.addi %multiple_of3A_491, %mul3A_5 : i32
    %dma_start3A_493 = tpu.memref_slice %arg2[%add3A_492, %mul3A_3] : memref<6400x16384xf32, #tpu.memory_space<hbm>> -> memref<8x4096xf32, #tpu.memory_space<hbm>>
    %dma_start3A_494 = tpu.memref_slice %arg2[%add3A_492, %mul3A_3] : memref<6400x16384xf32, #tpu.memory_space<hbm>> -> memref<8x4096xf32, #tpu.memory_space<hbm>>
    tpu.enqueue_dma source(%dma_start3A_494 : memref<8x4096xf32, #tpu.memory_space<hbm>>) target(%arg8 : memref<8x4096xf32, #tpu.memory_space<vmem>>) target_semaphore(%arg11 : memref<!tpu.dma_semaphore, #tpu.memory_space<semaphore_mem>>)
    %mul3A_495 = arith.constant 64 : i32
    %mul3A_496 = arith.muli %squeeze3A_52, %mul3A_495 : i32
    %multiple_of3A_497 = tpu.assume_multiple %mul3A_496, 8 : i32
    %add3A_498 = arith.addi %multiple_of3A_497, %mul3A_5 : i32
    %dma_wait3A_499 = tpu.memref_slice %arg2[%add3A_498, %mul3A_3] : memref<6400x16384xf32, #tpu.memory_space<hbm>> -> memref<8x4096xf32, #tpu.memory_space<hbm>>
    %dma_wait3A_500 = tpu.memref_slice %arg2[%add3A_498, %mul3A_3] : memref<6400x16384xf32, #tpu.memory_space<hbm>> -> memref<8x4096xf32, #tpu.memory_space<hbm>>
    tpu.wait_dma2 semaphore(%arg9 : memref<!tpu.dma_semaphore, #tpu.memory_space<semaphore_mem>>) src(%dma_wait3A_500 : memref<8x4096xf32, #tpu.memory_space<hbm>>) dst(%arg6 : memref<8x4096xf32, #tpu.memory_space<vmem>>)
    %add3A_501 = arith.constant 1344 : i32
    %add3A_502 = arith.addi %add3A_501, %mul3A_5 : i32
    %dma_start3A_503 = tpu.memref_slice %arg4[%add3A_502, %mul3A_3] : memref<1664x16384xf32, #tpu.memory_space<hbm>> -> memref<8x4096xf32, #tpu.memory_space<hbm>>
    %dma_start3A_504 = tpu.memref_slice %arg4[%add3A_502, %mul3A_3] : memref<1664x16384xf32, #tpu.memory_space<hbm>> -> memref<8x4096xf32, #tpu.memory_space<hbm>>
    tpu.enqueue_dma source(%arg6 : memref<8x4096xf32, #tpu.memory_space<vmem>>) target(%dma_start3A_504 : memref<8x4096xf32, #tpu.memory_space<hbm>>) target_semaphore(%arg12 : memref<!tpu.dma_semaphore, #tpu.memory_space<semaphore_mem>>)
    %add3A_505 = arith.constant 1344 : i32
    %add3A_506 = arith.addi %add3A_505, %mul3A_5 : i32
    %dma_wait3A_507 = tpu.memref_slice %arg4[%add3A_506, %mul3A_3] : memref<1664x16384xf32, #tpu.memory_space<hbm>> -> memref<8x4096xf32, #tpu.memory_space<hbm>>
    %dma_wait3A_508 = tpu.memref_slice %arg4[%add3A_506, %mul3A_3] : memref<1664x16384xf32, #tpu.memory_space<hbm>> -> memref<8x4096xf32, #tpu.memory_space<hbm>>
    tpu.wait_dma2 semaphore(%arg12 : memref<!tpu.dma_semaphore, #tpu.memory_space<semaphore_mem>>) src(%arg6 : memref<8x4096xf32, #tpu.memory_space<vmem>>) dst(%dma_wait3A_508 : memref<8x4096xf32, #tpu.memory_space<hbm>>)
    %mul3A_509 = arith.constant 64 : i32
    %mul3A_510 = arith.muli %squeeze3A_58, %mul3A_509 : i32
    %multiple_of3A_511 = tpu.assume_multiple %mul3A_510, 8 : i32
    %add3A_512 = arith.addi %multiple_of3A_511, %mul3A_5 : i32
    %dma_start3A_513 = tpu.memref_slice %arg2[%add3A_512, %mul3A_3] : memref<6400x16384xf32, #tpu.memory_space<hbm>> -> memref<8x4096xf32, #tpu.memory_space<hbm>>
    %dma_start3A_514 = tpu.memref_slice %arg2[%add3A_512, %mul3A_3] : memref<6400x16384xf32, #tpu.memory_space<hbm>> -> memref<8x4096xf32, #tpu.memory_space<hbm>>
    tpu.enqueue_dma source(%dma_start3A_514 : memref<8x4096xf32, #tpu.memory_space<hbm>>) target(%arg6 : memref<8x4096xf32, #tpu.memory_space<vmem>>) target_semaphore(%arg9 : memref<!tpu.dma_semaphore, #tpu.memory_space<semaphore_mem>>)
    %mul3A_515 = arith.constant 64 : i32
    %mul3A_516 = arith.muli %squeeze3A_54, %mul3A_515 : i32
    %multiple_of3A_517 = tpu.assume_multiple %mul3A_516, 8 : i32
    %add3A_518 = arith.addi %multiple_of3A_517, %mul3A_5 : i32
    %dma_wait3A_519 = tpu.memref_slice %arg2[%add3A_518, %mul3A_3] : memref<6400x16384xf32, #tpu.memory_space<hbm>> -> memref<8x4096xf32, #tpu.memory_space<hbm>>
    %dma_wait3A_520 = tpu.memref_slice %arg2[%add3A_518, %mul3A_3] : memref<6400x16384xf32, #tpu.memory_space<hbm>> -> memref<8x4096xf32, #tpu.memory_space<hbm>>
    tpu.wait_dma2 semaphore(%arg10 : memref<!tpu.dma_semaphore, #tpu.memory_space<semaphore_mem>>) src(%dma_wait3A_520 : memref<8x4096xf32, #tpu.memory_space<hbm>>) dst(%arg7 : memref<8x4096xf32, #tpu.memory_space<vmem>>)
    %add3A_521 = arith.constant 1408 : i32
    %add3A_522 = arith.addi %add3A_521, %mul3A_5 : i32
    %dma_start3A_523 = tpu.memref_slice %arg4[%add3A_522, %mul3A_3] : memref<1664x16384xf32, #tpu.memory_space<hbm>> -> memref<8x4096xf32, #tpu.memory_space<hbm>>
    %dma_start3A_524 = tpu.memref_slice %arg4[%add3A_522, %mul3A_3] : memref<1664x16384xf32, #tpu.memory_space<hbm>> -> memref<8x4096xf32, #tpu.memory_space<hbm>>
    tpu.enqueue_dma source(%arg7 : memref<8x4096xf32, #tpu.memory_space<vmem>>) target(%dma_start3A_524 : memref<8x4096xf32, #tpu.memory_space<hbm>>) target_semaphore(%arg13 : memref<!tpu.dma_semaphore, #tpu.memory_space<semaphore_mem>>)
    %add3A_525 = arith.constant 1408 : i32
    %add3A_526 = arith.addi %add3A_525, %mul3A_5 : i32
    %dma_wait3A_527 = tpu.memref_slice %arg4[%add3A_526, %mul3A_3] : memref<1664x16384xf32, #tpu.memory_space<hbm>> -> memref<8x4096xf32, #tpu.memory_space<hbm>>
    %dma_wait3A_528 = tpu.memref_slice %arg4[%add3A_526, %mul3A_3] : memref<1664x16384xf32, #tpu.memory_space<hbm>> -> memref<8x4096xf32, #tpu.memory_space<hbm>>
    tpu.wait_dma2 semaphore(%arg13 : memref<!tpu.dma_semaphore, #tpu.memory_space<semaphore_mem>>) src(%arg7 : memref<8x4096xf32, #tpu.memory_space<vmem>>) dst(%dma_wait3A_528 : memref<8x4096xf32, #tpu.memory_space<hbm>>)
    %mul3A_529 = arith.constant 64 : i32
    %mul3A_530 = arith.muli %squeeze3A_60, %mul3A_529 : i32
    %multiple_of3A_531 = tpu.assume_multiple %mul3A_530, 8 : i32
    %add3A_532 = arith.addi %multiple_of3A_531, %mul3A_5 : i32
    %dma_start3A_533 = tpu.memref_slice %arg2[%add3A_532, %mul3A_3] : memref<6400x16384xf32, #tpu.memory_space<hbm>> -> memref<8x4096xf32, #tpu.memory_space<hbm>>
    %dma_start3A_534 = tpu.memref_slice %arg2[%add3A_532, %mul3A_3] : memref<6400x16384xf32, #tpu.memory_space<hbm>> -> memref<8x4096xf32, #tpu.memory_space<hbm>>
    tpu.enqueue_dma source(%dma_start3A_534 : memref<8x4096xf32, #tpu.memory_space<hbm>>) target(%arg7 : memref<8x4096xf32, #tpu.memory_space<vmem>>) target_semaphore(%arg10 : memref<!tpu.dma_semaphore, #tpu.memory_space<semaphore_mem>>)
    %mul3A_535 = arith.constant 64 : i32
    %mul3A_536 = arith.muli %squeeze3A_56, %mul3A_535 : i32
    %multiple_of3A_537 = tpu.assume_multiple %mul3A_536, 8 : i32
    %add3A_538 = arith.addi %multiple_of3A_537, %mul3A_5 : i32
    %dma_wait3A_539 = tpu.memref_slice %arg2[%add3A_538, %mul3A_3] : memref<6400x16384xf32, #tpu.memory_space<hbm>> -> memref<8x4096xf32, #tpu.memory_space<hbm>>
    %dma_wait3A_540 = tpu.memref_slice %arg2[%add3A_538, %mul3A_3] : memref<6400x16384xf32, #tpu.memory_space<hbm>> -> memref<8x4096xf32, #tpu.memory_space<hbm>>
    tpu.wait_dma2 semaphore(%arg11 : memref<!tpu.dma_semaphore, #tpu.memory_space<semaphore_mem>>) src(%dma_wait3A_540 : memref<8x4096xf32, #tpu.memory_space<hbm>>) dst(%arg8 : memref<8x4096xf32, #tpu.memory_space<vmem>>)
    %add3A_541 = arith.constant 1472 : i32
    %add3A_542 = arith.addi %add3A_541, %mul3A_5 : i32
    %dma_start3A_543 = tpu.memref_slice %arg4[%add3A_542, %mul3A_3] : memref<1664x16384xf32, #tpu.memory_space<hbm>> -> memref<8x4096xf32, #tpu.memory_space<hbm>>
    %dma_start3A_544 = tpu.memref_slice %arg4[%add3A_542, %mul3A_3] : memref<1664x16384xf32, #tpu.memory_space<hbm>> -> memref<8x4096xf32, #tpu.memory_space<hbm>>
    tpu.enqueue_dma source(%arg8 : memref<8x4096xf32, #tpu.memory_space<vmem>>) target(%dma_start3A_544 : memref<8x4096xf32, #tpu.memory_space<hbm>>) target_semaphore(%arg14 : memref<!tpu.dma_semaphore, #tpu.memory_space<semaphore_mem>>)
    %mul3A_545 = arith.constant 64 : i32
    %mul3A_546 = arith.muli %squeeze3A_58, %mul3A_545 : i32
    %multiple_of3A_547 = tpu.assume_multiple %mul3A_546, 8 : i32
    %add3A_548 = arith.addi %multiple_of3A_547, %mul3A_5 : i32
    %dma_wait3A_549 = tpu.memref_slice %arg2[%add3A_548, %mul3A_3] : memref<6400x16384xf32, #tpu.memory_space<hbm>> -> memref<8x4096xf32, #tpu.memory_space<hbm>>
    %dma_wait3A_550 = tpu.memref_slice %arg2[%add3A_548, %mul3A_3] : memref<6400x16384xf32, #tpu.memory_space<hbm>> -> memref<8x4096xf32, #tpu.memory_space<hbm>>
    tpu.wait_dma2 semaphore(%arg9 : memref<!tpu.dma_semaphore, #tpu.memory_space<semaphore_mem>>) src(%dma_wait3A_550 : memref<8x4096xf32, #tpu.memory_space<hbm>>) dst(%arg6 : memref<8x4096xf32, #tpu.memory_space<vmem>>)
    %add3A_551 = arith.constant 1536 : i32
    %add3A_552 = arith.addi %add3A_551, %mul3A_5 : i32
    %dma_start3A_553 = tpu.memref_slice %arg4[%add3A_552, %mul3A_3] : memref<1664x16384xf32, #tpu.memory_space<hbm>> -> memref<8x4096xf32, #tpu.memory_space<hbm>>
    %dma_start3A_554 = tpu.memref_slice %arg4[%add3A_552, %mul3A_3] : memref<1664x16384xf32, #tpu.memory_space<hbm>> -> memref<8x4096xf32, #tpu.memory_space<hbm>>
    tpu.enqueue_dma source(%arg6 : memref<8x4096xf32, #tpu.memory_space<vmem>>) target(%dma_start3A_554 : memref<8x4096xf32, #tpu.memory_space<hbm>>) target_semaphore(%arg12 : memref<!tpu.dma_semaphore, #tpu.memory_space<semaphore_mem>>)
    %mul3A_555 = arith.constant 64 : i32
    %mul3A_556 = arith.muli %squeeze3A_60, %mul3A_555 : i32
    %multiple_of3A_557 = tpu.assume_multiple %mul3A_556, 8 : i32
    %add3A_558 = arith.addi %multiple_of3A_557, %mul3A_5 : i32
    %dma_wait3A_559 = tpu.memref_slice %arg2[%add3A_558, %mul3A_3] : memref<6400x16384xf32, #tpu.memory_space<hbm>> -> memref<8x4096xf32, #tpu.memory_space<hbm>>
    %dma_wait3A_560 = tpu.memref_slice %arg2[%add3A_558, %mul3A_3] : memref<6400x16384xf32, #tpu.memory_space<hbm>> -> memref<8x4096xf32, #tpu.memory_space<hbm>>
    tpu.wait_dma2 semaphore(%arg10 : memref<!tpu.dma_semaphore, #tpu.memory_space<semaphore_mem>>) src(%dma_wait3A_560 : memref<8x4096xf32, #tpu.memory_space<hbm>>) dst(%arg7 : memref<8x4096xf32, #tpu.memory_space<vmem>>)
    %add3A_561 = arith.constant 1600 : i32
    %add3A_562 = arith.addi %add3A_561, %mul3A_5 : i32
    %dma_start3A_563 = tpu.memref_slice %arg4[%add3A_562, %mul3A_3] : memref<1664x16384xf32, #tpu.memory_space<hbm>> -> memref<8x4096xf32, #tpu.memory_space<hbm>>
    %dma_start3A_564 = tpu.memref_slice %arg4[%add3A_562, %mul3A_3] : memref<1664x16384xf32, #tpu.memory_space<hbm>> -> memref<8x4096xf32, #tpu.memory_space<hbm>>
    tpu.enqueue_dma source(%arg7 : memref<8x4096xf32, #tpu.memory_space<vmem>>) target(%dma_start3A_564 : memref<8x4096xf32, #tpu.memory_space<hbm>>) target_semaphore(%arg13 : memref<!tpu.dma_semaphore, #tpu.memory_space<semaphore_mem>>)
    %add3A_565 = arith.constant 1472 : i32
    %add3A_566 = arith.addi %add3A_565, %mul3A_5 : i32
    %dma_wait3A_567 = tpu.memref_slice %arg4[%add3A_566, %mul3A_3] : memref<1664x16384xf32, #tpu.memory_space<hbm>> -> memref<8x4096xf32, #tpu.memory_space<hbm>>
    %dma_wait3A_568 = tpu.memref_slice %arg4[%add3A_566, %mul3A_3] : memref<1664x16384xf32, #tpu.memory_space<hbm>> -> memref<8x4096xf32, #tpu.memory_space<hbm>>
    tpu.wait_dma2 semaphore(%arg14 : memref<!tpu.dma_semaphore, #tpu.memory_space<semaphore_mem>>) src(%arg8 : memref<8x4096xf32, #tpu.memory_space<vmem>>) dst(%dma_wait3A_568 : memref<8x4096xf32, #tpu.memory_space<hbm>>)
    %add3A_569 = arith.constant 1536 : i32
    %add3A_570 = arith.addi %add3A_569, %mul3A_5 : i32
    %dma_wait3A_571 = tpu.memref_slice %arg4[%add3A_570, %mul3A_3] : memref<1664x16384xf32, #tpu.memory_space<hbm>> -> memref<8x4096xf32, #tpu.memory_space<hbm>>
    %dma_wait3A_572 = tpu.memref_slice %arg4[%add3A_570, %mul3A_3] : memref<1664x16384xf32, #tpu.memory_space<hbm>> -> memref<8x4096xf32, #tpu.memory_space<hbm>>
    tpu.wait_dma2 semaphore(%arg12 : memref<!tpu.dma_semaphore, #tpu.memory_space<semaphore_mem>>) src(%arg6 : memref<8x4096xf32, #tpu.memory_space<vmem>>) dst(%dma_wait3A_572 : memref<8x4096xf32, #tpu.memory_space<hbm>>)
    %add3A_573 = arith.constant 1600 : i32
    %add3A_574 = arith.addi %add3A_573, %mul3A_5 : i32
    %dma_wait3A_575 = tpu.memref_slice %arg4[%add3A_574, %mul3A_3] : memref<1664x16384xf32, #tpu.memory_space<hbm>> -> memref<8x4096xf32, #tpu.memory_space<hbm>>
    %dma_wait3A_576 = tpu.memref_slice %arg4[%add3A_574, %mul3A_3] : memref<1664x16384xf32, #tpu.memory_space<hbm>> -> memref<8x4096xf32, #tpu.memory_space<hbm>>
    tpu.wait_dma2 semaphore(%arg13 : memref<!tpu.dma_semaphore, #tpu.memory_space<semaphore_mem>>) src(%arg7 : memref<8x4096xf32, #tpu.memory_space<vmem>>) dst(%dma_wait3A_576 : memref<8x4096xf32, #tpu.memory_space<hbm>>)
    return
  }
}

</mosaic_0001>

<sc_bundles>
// kernel: kernel.3.cloned.1.call-start
scs
__scs_entry_jumppad:
0x0: {  	(pc) =	sbr.rel $0x88, $3  }
0x1: {  	(tag) =	ssettag $0x0;
	lr =	simm.s32 $0x1  }
0x2: {  	[smem:$0x3F9F] =	sst lr;
	_ =	strace $0xD0000000  }
0x3: {  	_ = 	snop  }
0x4: {  	_ = 	snop  }
0x5: {  	_ = 	snop  }
0x6: {  	_ = 	snop  }
0x7: {  	_ = 	snop  }
__scs_overlays_trampoline_lowered:
0x8: {  	[smem:$0x3FAE] =	sst s0  }
0x9: {  	[smem:$0x3FAF] =	sst s1  }
0xa: {  	[smem:$0x3FB0] =	sst s2  }
0xb: {  	[smem:$0x3FB1] =	sst s3  }
0xc: {  	[smem:$0x3FB2] =	sst s4  }
0xd: {  	[smem:$0x3FB3] =	sst s5  }
0xe: {  	[smem:$0x3FB4] =	sst s6  }
0xf: {  	[smem:$0x3FB5] =	sst s7  }
0x10: {  	[smem:$0x3FB6] =	sst s8  }
0x11: {  	[smem:$0x3FB7] =	sst s9;
	s0 =	simm.s32 @!p0 $0x0  }
0x12: {  	s1 =	sld [smem:$0x3F9D];
	s0 =	simm.s32 @p0 $0x1  }
0x13: {  	[smem:$0x3FB8] =	sst s0;
	s0 =	simm.s32 @!p1 $0x0  }
0x14: {  	s2 =	sld [smem:$0x3F9C];
	s0 =	simm.s32 @p1 $0x1  }
0x15: {  	[smem:$0x3FB9] =	sst s0;
	s0 =	simm.s32 @!p2 $0x0  }
0x16: {  	s3 =	sld [smem:$0x3FDB];
	s0 =	simm.s32 @p2 $0x1  }
0x17: {  	s4 =	simm.s32 $0x1BF5;
	[smem:$0x3FBB] =	sst s0  }
0x18: {  	s0 =	sld [smem:$0x3F9E];
	_ =	swait.ge [sflag:s4], $0x0  }
0x19: {  	s7 =	sld [smem:$0x3F9F]  }
0x1a: {  	s8 =	sadd.s32 $0xFFFFE003, lr  }
0x1b: {  	s9 =	sadd.s32 $0xFFFFFEF7, lr;
	s5 =	simm.s32 $0xFFFFFFFF;
	p2 =	slt.u32 s8, $0xFFFFF086  }
0x1c: {  	p1 =	slt.u32 s9, $0xF7A;
	s5 =	simm.s32 @!p2 $0x0  }
0x1d: {  	s5 =	simm.s32 @p1 $0x1;
	p0 =	seq.s32 s7, s2  }
0x1e: {  	s7 =	smul.u32 @!p0 $0xF7A, s2;
	p2 =	seq.s32 @!p0 s5, $0x0  }
0x1f: {  	s9 =	smul.u32 $0xF7A, s1;
	s8 =	simm.s32 @!p0 $0x1BF5;
	p2 =	por !p2, p0  }
0x20: {  	[sflag:s8] =	ssyncset.s32 @!p0 $0xFFFFF086;
	s6 =	sadd.s32 @!p0 s3, s7;
	s7 =	simm.s32 @!p0 $0x108  }
0x21: {  	s3 =	sadd.s32 s3, s9;
	s6 =	sadd.s32 @!p0 $0x88, s6;
	s7 =	simm.s32 @p2 $0x1082  }
0x22: {  	[simem:s7], [sflag:s8] =	dma.local @!p0 [hbm:s6], $0xF7A  }
0x23: {  	s9 =	sor.u32 $0xD0000000, s2;
	s6 =	simm.s32 $0x108;
	_ =	swait.ge @!p0 [sflag:s8], $0x0  }
0x24: {  	s3 =	sadd.s32 $0x88, s3;
	s6 =	simm.s32 @!p1 $0x1082;
	[sflag:s4] =	ssyncset.s32 $0xFFFFF086  }
0x25: {  	[simem:s6], [sflag:s4] =	dma.local [hbm:s3], $0xF7A  }
0x26: {  	[smem:$0x3F9F] =	sst s1;
	(tag) =	ssettag s2;
	_ =	strace s9  }
0x27: {  	s1 =	sld [smem:$0x3FAF]  }
0x28: {  	s2 =	sld [smem:$0x3FB0]  }
0x29: {  	s4 =	sld [smem:$0x3FB2]  }
0x2a: {  	p0 =	seq.s32 s5, $0x0;
	s5 =	sld [smem:$0x3FB3]  }
0x2b: {  	s6 =	sld [smem:$0x3FB4]  }
0x2c: {  	s7 =	sld [smem:$0x3FB5]  }
0x2d: {  	s3 =	simm.s32 $0x108;
	s8 =	sld [smem:$0x3FB6]  }
0x2e: {  	s3 =	simm.s32 @!p0 $0x1082;
	s9 =	sld [smem:$0x3FB7]  }
0x2f: {  	lr =	sadd.s32 s0, s3;
	s0 =	sld [smem:$0x3FAE]  }
0x30: {  	s3 =	sld [smem:$0x3FB1]  }
0x31: {  	[smem:$0x3FBA] =	sst s10  }
0x32: {  	s10 =	sld [smem:$0x3FB8];
	_ =	sdelay $0x3  }
0x33: {  	p0 =	seq.s32 s10, $0x1;
	s10 =	sld [smem:$0x3FBA];
	_ =	sdelay $0x3  }
0x34: {  	[smem:$0x3FBA] =	sst s10  }
0x35: {  	s10 =	sld [smem:$0x3FB9];
	_ =	sdelay $0x3  }
0x36: {  	p1 =	seq.s32 s10, $0x1;
	s10 =	sld [smem:$0x3FBA];
	_ =	sdelay $0x3  }
0x37: {  	[smem:$0x3FBA] =	sst s10  }
0x38: {  	s10 =	sld [smem:$0x3FBB]  }
0x39: {  	_ = 	snop;
	(pc) =	sbr.ind lr, $3  }
0x3a: {  	_ = 	snop  }
0x3b: {  	_ = 	snop  }
0x3c: {  	p2 =	seq.s32 s10, $0x1;
	s10 =	sld [smem:$0x3FBA]  }
0x3d: {  	_ =	shalt  }
0x3e: {  	_ =	shalt  }
0x3f: {  	_ =	shalt  }
0x40: {  	_ =	shalt  }
0x41: {  	_ =	shalt  }
0x42: {  	_ =	shalt  }
0x43: {  	_ =	shalt  }
0x44: {  	_ =	shalt  }
0x45: {  	_ =	shalt  }
0x46: {  	_ =	shalt  }
0x47: {  	_ =	shalt  }
0x48: {  	_ =	shalt  }
0x49: {  	_ =	shalt  }
0x4a: {  	_ =	shalt  }
0x4b: {  	_ =	shalt  }
0x4c: {  	_ =	shalt  }
0x4d: {  	_ =	shalt  }
0x4e: {  	_ =	shalt  }
0x4f: {  	_ =	shalt  }
0x50: {  	_ =	shalt  }
0x51: {  	_ =	shalt  }
0x52: {  	_ =	shalt  }
0x53: {  	_ =	shalt  }
0x54: {  	_ =	shalt  }
0x55: {  	_ =	shalt  }
0x56: {  	_ =	shalt  }
0x57: {  	_ =	shalt  }
0x58: {  	_ =	shalt  }
0x59: {  	_ =	shalt  }
0x5a: {  	_ =	shalt  }
0x5b: {  	_ =	shalt  }
0x5c: {  	_ =	shalt  }
0x5d: {  	_ =	shalt  }
0x5e: {  	_ =	shalt  }
0x5f: {  	_ =	shalt  }
0x60: {  	_ =	shalt  }
0x61: {  	_ =	shalt  }
0x62: {  	_ =	shalt  }
0x63: {  	_ =	shalt  }
0x64: {  	_ =	shalt  }
0x65: {  	_ =	shalt  }
0x66: {  	_ =	shalt  }
0x67: {  	_ =	shalt  }
0x68: {  	_ =	shalt  }
0x69: {  	_ =	shalt  }
0x6a: {  	_ =	shalt  }
0x6b: {  	_ =	shalt  }
0x6c: {  	_ =	shalt  }
0x6d: {  	_ =	shalt  }
0x6e: {  	_ =	shalt  }
0x6f: {  	_ =	shalt  }
0x70: {  	_ =	shalt  }
0x71: {  	_ =	shalt  }
0x72: {  	_ =	shalt  }
0x73: {  	_ =	shalt  }
0x74: {  	_ =	shalt  }
0x75: {  	_ =	shalt  }
0x76: {  	_ =	shalt  }
0x77: {  	_ =	shalt  }
0x78: {  	_ =	shalt  }
0x79: {  	_ =	shalt  }
0x7a: {  	_ =	shalt  }
0x7b: {  	_ =	shalt  }
0x7c: {  	_ =	shalt  }
0x7d: {  	_ =	shalt  }
0x7e: {  	_ =	shalt  }
0x7f: {  	_ =	shalt  }
0x80: {  	_ =	shalt  }
0x81: {  	_ =	shalt  }
0x82: {  	_ =	shalt  }
0x83: {  	_ =	shalt  }
0x84: {  	_ =	shalt  }
0x85: {  	_ =	shalt  }
0x86: {  	_ =	shalt  }
0x87: {  	_ =	shalt  }
.Lfunc_end0:
.L_simem_size_0:
called_computation_lowered:
.L_overlay_start_0:
0x88: {  	s2 =	sld [smem:$0x3FD9]  }
0x89: {  	s3 =	sld [smem:$0x3FFE];
	_ =	sdelay $0x1  }
0x8a: {  	s1 =	srdreg.scid  }
0x8b: {  	s0 =	sand.u32 $0x1, s1  }
0x8c: {  	s18 =	sshll.u32 s0, $0xA;
	s2 =	sadd.s32 s3, s2  }
0x8d: {  	s2 =	sadd.s32 s2, s18  }
0x8e: {  	[smem:$0x3FC6] =	sst s2  }
0x8f: {  	_ = 	snop  }
0x90: {  	s2 =	sld [smem:$0x3FC9]  }
0x91: {  	s19 =	sld [smem:$0x3FC8]  }
0x92: {  	s4 =	sld [smem:$0x3FD0];
	(tm) =	ssettm $0x1  }
0x93: {  	s5 =	sld [smem:$0x3FFB];
	_ =	sdelay $0x3  }
0x94: {  	_ =	strace s5  }
0x95: {  	s5 =	sld [smem:$0x3FFC];
	_ =	sdelay $0x3  }
0x96: {  	_ =	strace s5  }
0x97: {  	s5 =	sld [smem:$0x3FFD];
	_ =	sdelay $0x3  }
0x98: {  	_ =	strace s5  }
0x99: {  	_ =	strace $0x8FFFFFFF  }
0x9a: {  	s20 =	sld [smem:$0x3FDB];
	_ =	sdelay $0x1  }
0x9b: {  	s6 =	simm.s32 $_scs_section_size  }
0x9c: {  	s7 =	simm.s32 $_size__tile_overlayer_lowered;
	s8 =	simm.s32 $_tile_overlayer_lowered  }
0x9d: {  	s23 =	simm.s32 $0x1BFF;
	s22 =	sshll.u32 s8, $0x1;
	s5 =	sadd.s32 s6, s20  }
0x9e: {  	s9 =	simm.s32 $0x0;
	s21 =	sshll.u32 s7, $0x1;
	s7 =	sadd.s32 s22, s5  }
0x9f: {  	[timem:s9], [sflag:s23] =	dma.local [hbm:s7], s21  }
0xa0: {  	_ =	swait.ge [sflag:s23], s21  }
0xa1: {  	s6 =	ssub.s32 $0x0, s21;
	[sflag:s23] =	ssyncset.done $0x0  }
0xa2: {  	[sflag:s23] =	ssyncadd.s32 s6;
	_ =	sdelay $0x1  }
0xa3: {  	s24 =	simm.s32 $0x1B8B  }
0xa4: {  	_ =	swait.ge [sflag:s24], $0x1  }
0xa5: {  	[sflag:s24] =	ssyncset.done $0x0  }
0xa6: {  	s25 =	simm.s32 $0x1B8E;
	[sflag:s24] =	ssyncadd.s32 $0xFFFFFFFF  }
0xa7: {  	s26 =	simm.s32 $execute0_lowered;
	[smem:$0x3FD2] =	sst s25  }
0xa8: {  	s6 =	sshll.u32 s26, $0x1;
	_ =	strace $0x80000046;
	[dreg:$0x1] =	wrdreg $0xFFFFFFFF  }
0xa9: {  	s28 =	simm.s32 $_size_execute0_lowered;
	s5 =	sadd.s32 s5, s6;
	[dreg:$0x0] =	wrdreg $0x0  }
0xaa: {  	s6 =	sshll.u32 s28, $0x1;
	[dreg:$0x2] =	wrdreg s5  }
0xab: {  	[dreg:$0x3] =	wrdreg s6  }
0xac: {  	[dreg:$0x4] =	wrdreg $0xC0  }
0xad: {  	_ =	task [dreg:s9], $0x5FFFF  }
0xae: {  	[dreg:$0x1] =	wrdreg $0xFFFFFFFF  }
0xaf: {  	[dreg:$0x0] =	wrdreg $0x60  }
0xb0: {  	[dreg:$0x2] =	wrdreg s2  }
0xb1: {  	[dreg:$0x3] =	wrdreg s19  }
0xb2: {  	[dreg:$0x4] =	wrdreg s4  }
0xb3: {  	[dreg:$0x5] =	wrdreg $0x9  }
0xb4: {  	_ =	task.clear_ibuf [dreg:s9], $0x6FFFF;
	_ =	strace $0x90000046  }
0xb5: {  	s29 =	simm.s32 $0x9;
	_ =	strace $0x80000048  }
0xb6: {  	_ =	swait.ge [sflag:s29], $0x1  }
0xb7: {  	[sflag:s29] =	ssyncadd.s32 $0xFFFFFFFF  }
0xb8: {  	_ =	strace $0x90000048  }
0xb9: {  	_ =	sfence  }
0xba: {  	s30 =	sld [smem:$0x0];
	_ =	sdelay $0x2  }
0xbb: {  	s31 =	sshll.u32 s1, $0xD;
	s1 =	sshrl.u32 s1, $0x2  }
0xbc: {  	s3 =	sand.u32 $0x4000, s31;
	s1 =	sadd.s32 s1, s30  }
0xbd: {  	s0 =	sor.u32 s3, s0;
	s1 =	sshll.u32 s1, $0x11  }
0xbe: {  	s0 =	sor.u32 s1, s0  }
0xbf: {  	s0 =	sadd.s32 $0x8F2B, s0  }
0xc0: {  	[sflag:s0] =	ssyncadd.remote.s32 $0x1  }
0xc1: {  	_ =	sfence.sel $0xFFFF  }
0xc2: {  	[dreg:$0x0] =	wrdreg $0xFFFFFFFF;
	(pc) =	sbr.abs _section_cstart, $3  }
0xc3: {  	[dreg:$0x1] =	wrdreg $0xFFFFFFFF  }
0xc4: {  	_ =	task.clear_ibuf [dreg:s9], $0x2FFFF;
	_ =	strace $0x9FFFFFFF  }
0xc5: {  	(tm) =	ssettm $0x7FFFFFFF  }
tec
execute0_lowered:
.L_overlay_start_1:
0x0: {  	(tag) =	ssettag $0x1  }
0x1: {  	s0 =	srdreg.scid;
	s16 =	stileid.u32  }
0x2: {  	s3 =	rddreg [dreg:$0x0];
	s1 =	sand.u32 $0x1, s0;
	s10 =	sshll.u32 s16, $0xC  }
0x3: {  	s2 =	rddreg [dreg:$0x1];
	s11 =	sshll.u32 s1, $0x10;
	s4 =	sand.u32 $0x8000, s10  }
0x4: {  	[dreg:$0x4] =	wrdreg s2;
	s12 =	sshll.u32 s16, $0x11;
	s4 =	sor.u32 s11, s4  }
0x5: {  	s0 =	rddreg [dreg:$0x2];
	s5 =	sand.u32 $0xE0000, s12;
	s6 =	sor.u32 s12, s4  }
0x6: {  	s2 =	simm.s32 $0x0;
	s4 =	sor.u32 s5, s4;
	s5 =	sshrl.u32 s6, $0x3  }
0x7: {  	[smem:$0x7FF] =	sst s2;
	s13 =	sshrl.u32 s4, $0x3;
	s7 =	sor.u32 $0x20000, s5  }
0x8: {  	_ =	strace $0x80000047;
	s17 =	sadd.s32 s0, s13;
	s14 =	sadd.s32 s0, s7  }
0x9: {  	s18 =	sor.u32 $0x60000, s5;
	s15 =	sadd.s32 $0x40000, s17;
	[dreg:$0x5] =	wrdreg s14  }
0xa: {  	s19 =	sadd.s32 s0, s18;
	[dreg:$0x6] =	wrdreg s15  }
0xb: {  	s21 =	sor.u32 $0xA0000, s5;
	s20 =	sadd.s32 $0x80000, s17;
	[dreg:$0x7] =	wrdreg s19  }
0xc: {  	s22 =	sadd.s32 s0, s21;
	[dreg:$0x8] =	wrdreg s20  }
0xd: {  	s24 =	sor.u32 $0xE0000, s5;
	s23 =	sadd.s32 $0xC0000, s17;
	[dreg:$0x9] =	wrdreg s22  }
0xe: {  	s25 =	sadd.s32 s0, s24;
	[dreg:$0xa] =	wrdreg s23  }
0xf: {  	s28 =	sor.u32 $0x120000, s5;
	s26 =	sadd.s32 $0x100000, s17;
	[dreg:$0xb] =	wrdreg s25  }
0x10: {  	s29 =	sadd.s32 s0, s28;
	[dreg:$0xc] =	wrdreg s26  }
0x11: {  	s31 =	sor.u32 $0x160000, s5;
	s30 =	sadd.s32 $0x140000, s17;
	[dreg:$0xd] =	wrdreg s29  }
0x12: {  	p0 =	por $0x0, $0x0;
	s7 =	sadd.s32 s0, s31;
	[dreg:$0xe] =	wrdreg s30  }
0x13: {  	s9 =	sor.u32 $0x1A0000, s5;
	s8 =	sadd.s32 $0x180000, s17;
	[dreg:$0xf] =	wrdreg s7  }
0x14: {  	s1 =	ssub.s32 $0x2, s1;
	s10 =	sadd.s32 s0, s9;
	[dreg:$0x10] =	wrdreg s8  }
0x15: {  	s12 =	sor.u32 $0x1E0000, s5;
	s11 =	sadd.s32 $0x1C0000, s17;
	[dreg:$0x11] =	wrdreg s10  }
0x16: {  	s6 =	simm.s32 $0x4;
	s13 =	sadd.s32 s0, s12;
	[dreg:$0x12] =	wrdreg s11  }
0x17: {  	s12 =	simm.s32 $0x10080;
	s9 =	simm.s32 $0x6;
	[dreg:$0x13] =	wrdreg s13  }
0x18: {  	s14 =	sadd.s32 $0x200000, s17;
	s15 =	sor.u32 $0x220000, s5;
	s19 =	sadd.s32 $0x240000, s17  }
0x19: {  	s20 =	sor.u32 $0x260000, s5;
	s22 =	sadd.s32 $0x280000, s17;
	s23 =	sor.u32 $0x2A0000, s5  }
0x1a: {  	s25 =	sadd.s32 $0x2C0000, s17;
	s26 =	sor.u32 $0x2E0000, s5;
	[dreg:$0x14] =	wrdreg s14  }
0x1b: {  	s29 =	sadd.s32 $0x300000, s17;
	s5 =	sor.u32 $0x320000, s5;
	[dreg:$0x16] =	wrdreg s19  }
0x1c: {  	s30 =	sshrl.u32 s1, $0x1;
	s8 =	simm.s32 $0x80;
	[dreg:$0x18] =	wrdreg s22  }
0x1d: {  	s7 =	simm.s32 $0x8080;
	[dreg:$0x1a] =	wrdreg s25;
	s1 =	ssub.s32 s1, s30  }
0x1e: {  	s18 =	sadd.s32 s0, s15;
	[dreg:$0x1c] =	wrdreg s29;
	s31 =	smax.u32 s1, $0x1  }
0x1f: {  	s21 =	sadd.s32 s0, s20;
	[dreg:$0x15] =	wrdreg s18;
	p1 =	sne.s32 s31, $0x1  }
.Ltmp0:
0x20: {  	s24 =	sadd.s32 s0, s23;
	[dreg:$0x17] =	wrdreg s21;
	(pc) =	sbr.rel @!p1 .LBB2_5-.Ltmp0, $4  }
0x21: {  	s11 =	simm.s32 $0x1;
	s28 =	sadd.s32 s0, s26;
	[dreg:$0x19] =	wrdreg s24  }
0x22: {  	s10 =	simm.s32 $0x2;
	s0 =	sadd.s32 s0, s5;
	[dreg:$0x1b] =	wrdreg s28  }
0x23: {  	s13 =	simm.s32 $0x3;
	s5 =	simm.s32 $0x5;
	[dreg:$0x1d] =	wrdreg s0  }
0x24: {  	s1 =	simm.s32 $0x7;
	s0 =	rddreg [dreg:$0x4];
	s14 =	sadd.s32 $0xFFFFFFFF, s31  }
0x25: {  	[tilespmem:s2], [sflag:$0x7] =	stream.linear.gather [hbm4b:s0+s2], $0x80, $0x38;
	[tilespmem:$0x18080] =	vst v63  }
0x26: {  	_ =	swait.ge [sflag:s1], $0x80  }
0x27: {  	[sflag:s1] =	ssyncset.done $0x0  }
0x28: {  	[sflag:s1] =	ssyncadd.s32 $0xFFFFFF80  }
0x29: {  	v0 =	vld [tilespmem:$0x0];
	_ =	sdelay $0x4  }
0x2a: {  	v0 =	vshll.u32 v0, $0x14  }
0x2b: {  	(v2sf) =	vpush v0, $0x0  }
0x2c: {  	(v2sf) =	vpush v0, $0x1  }
0x2d: {  	(v2sf) =	vpush v0, $0x2;
	_ =	sdelay $0x2  }
0x2e: {  	(v2sf) =	vpush v0, $0x3;
	_ =	sdelay $0x1  }
0x2f: {  	(v2sf) =	vpush v0, $0x4;
	_ =	sdelay $0x2  }
0x30: {  	(v2sf) =	vpush v0, $0x5  }
0x31: {  	(v2sf) =	vpush v0, $0x6;
	_ =	sdelay $0x3  }
0x32: {  	(v2sf) =	vpush v0, $0x7;
	s29 =	spop (v2sf)  }
0x33: {  	s16 =	smov.u32 s14;
	s0 =	sor.u32 s4, s29;
	s30 =	spop (v2sf)  }
0x34: {  	s0 =	sshrl.u32 s0, $0x3;
	s1 =	sor.u32 s4, s30;
	s31 =	spop (v2sf)  }
0x35: {  	(v2sf) =	vpush v0, $0x8;
	s0 =	sadd.s32 s3, s0;
	s1 =	sshrl.u32 s1, $0x3;
	s14 =	sor.u32 s4, s31  }
0x36: {  	v1 =	vld [tilespmem:$0xA];
	(v2sf) =	vpush v0, $0x9;
	[tilespmem:s8], [sflag:$0x1] =	stream.linear.gather [hbm4b:s0+s2], $0x8000, $0x38  }
0x37: {  	s18 =	spop (v2sf);
	(v2sf) =	vpush v0, $0xA;
	s1 =	sadd.s32 s3, s1;
	s15 =	sshrl.u32 s14, $0x3  }
0x38: {  	[tilespmem:s7], [sflag:$0x2] =	stream.linear.gather [hbm4b:s1+s2], $0x8000, $0x38;
	[tilespmem:$0x18080] =	vst v63  }
0x39: {  	s20 =	spop (v2sf);
	s19 =	sadd.s32 s3, s15  }
0x3a: {  	(v2sf) =	vpush v0, $0xB;
	[tilespmem:s12], [sflag:$0x3] =	stream.linear.gather [hbm4b:s19+s2], $0x8000, $0x38;
	[tilespmem:$0x18080] =	vst v63  }
0x3b: {  	_ =	swait.ge [sflag:s11], $0x8000  }
0x3c: {  	[sflag:s11] =	ssyncset.done $0x0;
	s15 =	spop (v2sf)  }
0x3d: {  	s14 =	sor.u32 s4, s18;
	(v2sf) =	vpush v0, $0xC;
	[sflag:s11] =	ssyncadd.s32 $0xFFFF8000;
	s21 =	spop (v2sf)  }
0x3e: {  	(v2sf) =	vpush v0, $0xD;
	[hbm4b:s17+s2] =	stream.linear.scatter [tilespmem:s8], [sflag:$0x4], $0x8000, $0x38;
	[tilespmem:$0x18080] =	vst v63  }
0x3f: {  	s14 =	sshrl.u32 s14, $0x3;
	_ =	swait.ge [sflag:s6], $0x8000  }
0x40: {  	v1 =	vshll.u32 v1, $0x14;
	s14 =	sadd.s32 s3, s14;
	[sflag:s6] =	ssyncset.done $0x0  }
0x41: {  	[dreg:$0x1e] =	wrdreg s17;
	(v2sf) =	vpush v1, $0x6;
	s17 =	spop (v2sf);
	[sflag:s6] =	ssyncadd.s32 $0xFFFF8000  }
0x42: {  	(v2sf) =	vpush v0, $0xE;
	[tilespmem:s8], [sflag:$0x1] =	stream.linear.gather [hbm4b:s14+s2], $0x8000, $0x38;
	[tilespmem:$0x18080] =	vst v63  }
0x43: {  	_ =	swait.ge [sflag:s10], $0x8000  }
0x44: {  	s31 =	spop (v2sf)  }
0x45: {  	[sflag:s10] =	ssyncset.done $0x0;
	s30 =	spop (v2sf)  }
0x46: {  	s28 =	rddreg [dreg:$0x5];
	(v2sf) =	vpush v1, $0x7;
	[sflag:s10] =	ssyncadd.s32 $0xFFFF8000;
	s29 =	spop (v2sf)  }
0x47: {  	(v2sf) =	vpush v0, $0xF;
	[hbm4b:s28+s2] =	stream.linear.scatter [tilespmem:s7], [sflag:$0x5], $0x8000, $0x38;
	[tilespmem:$0x18080] =	vst v63  }
0x48: {  	s1 =	sor.u32 s4, s20;
	_ =	swait.ge [sflag:s5], $0x8000  }
0x49: {  	s1 =	sshrl.u32 s1, $0x3;
	[sflag:s5] =	ssyncset.done $0x0;
	(v2sf) =	vpush v1, $0x8  }
0x4a: {  	s1 =	sadd.s32 s3, s1;
	s28 =	spop (v2sf);
	[sflag:s5] =	ssyncadd.s32 $0xFFFF8000  }
0x4b: {  	(v2sf) =	vpush v1, $0x9;
	[tilespmem:s7], [sflag:$0x2] =	stream.linear.gather [hbm4b:s1+s2], $0x8000, $0x38;
	[tilespmem:$0x18080] =	vst v63  }
0x4c: {  	_ =	swait.ge [sflag:s13], $0x8000  }
0x4d: {  	s26 =	spop (v2sf);
	(v2sf) =	vpush v1, $0xA;
	[sflag:s13] =	ssyncset.done $0x0  }
0x4e: {  	s14 =	rddreg [dreg:$0x6];
	s24 =	spop (v2sf);
	[sflag:s13] =	ssyncadd.s32 $0xFFFF8000  }
0x4f: {  	[hbm4b:s14+s2] =	stream.linear.scatter [tilespmem:s12], [sflag:$0x6], $0x8000, $0x38;
	[tilespmem:$0x18080] =	vst v63  }
0x50: {  	(v2sf) =	vpush v1, $0xB;
	s22 =	spop (v2sf)  }
0x51: {  	s18 =	sor.u32 s4, s15;
	_ =	swait.ge [sflag:s9], $0x8000  }
0x52: {  	s1 =	sshrl.u32 s18, $0x3;
	[sflag:s9] =	ssyncset.done $0x0  }
0x53: {  	s1 =	sadd.s32 s3, s1;
	(v2sf) =	vpush v1, $0xC;
	s25 =	spop (v2sf);
	[sflag:s9] =	ssyncadd.s32 $0xFFFF8000  }
0x54: {  	(v2sf) =	vpush v1, $0xD;
	[tilespmem:s12], [sflag:$0x3] =	stream.linear.gather [hbm4b:s1+s2], $0x8000, $0x38;
	[tilespmem:$0x18080] =	vst v63  }
0x55: {  	_ =	swait.ge [sflag:s11], $0x8000  }
0x56: {  	s23 =	spop (v2sf)  }
0x57: {  	(v2sf) =	vpush v1, $0xE;
	[sflag:s11] =	ssyncset.done $0x0;
	s15 =	spop (v2sf)  }
0x58: {  	s19 =	rddreg [dreg:$0x7];
	[sflag:s11] =	ssyncadd.s32 $0xFFFF8000;
	s14 =	spop (v2sf)  }
0x59: {  	(v2sf) =	vpush v1, $0xF;
	[hbm4b:s19+s2] =	stream.linear.scatter [tilespmem:s8], [sflag:$0x4], $0x8000, $0x38;
	[tilespmem:$0x18080] =	vst v63  }
0x5a: {  	s0 =	sor.u32 s4, s21;
	_ =	swait.ge [sflag:s6], $0x8000  }
0x5b: {  	s20 =	sshrl.u32 s0, $0x3;
	s0 =	spop (v2sf);
	[sflag:s6] =	ssyncset.done $0x0  }
0x5c: {  	s1 =	sadd.s32 s3, s20;
	[sflag:s6] =	ssyncadd.s32 $0xFFFF8000;
	s21 =	spop (v2sf)  }
0x5d: {  	[tilespmem:s8], [sflag:$0x1] =	stream.linear.gather [hbm4b:s1+s2], $0x8000, $0x38;
	[tilespmem:$0x18080] =	vst v63  }
0x5e: {  	_ =	swait.ge [sflag:s10], $0x8000  }
0x5f: {  	[sflag:s10] =	ssyncset.done $0x0  }
0x60: {  	s1 =	spop (v2sf);
	s18 =	rddreg [dreg:$0x8];
	[sflag:s10] =	ssyncadd.s32 $0xFFFF8000  }
0x61: {  	[hbm4b:s18+s2] =	stream.linear.scatter [tilespmem:s7], [sflag:$0x5], $0x8000, $0x38;
	[tilespmem:$0x18080] =	vst v63  }
0x62: {  	s20 =	spop (v2sf)  }
0x63: {  	s19 =	spop (v2sf)  }
0x64: {  	s17 =	sor.u32 s4, s17;
	_ =	swait.ge [sflag:s5], $0x8000  }
0x65: {  	s17 =	sshrl.u32 s17, $0x3;
	[sflag:s5] =	ssyncset.done $0x0  }
0x66: {  	s17 =	sadd.s32 s3, s17;
	s18 =	spop (v2sf);
	[sflag:s5] =	ssyncadd.s32 $0xFFFF8000  }
0x67: {  	[tilespmem:s7], [sflag:$0x2] =	stream.linear.gather [hbm4b:s17+s2], $0x8000, $0x38;
	[tilespmem:$0x18080] =	vst v63  }
0x68: {  	_ =	swait.ge [sflag:s13], $0x8000  }
0x69: {  	[sflag:s13] =	ssyncset.done $0x0  }
0x6a: {  	s17 =	rddreg [dreg:$0x9];
	[sflag:s13] =	ssyncadd.s32 $0xFFFF8000  }
0x6b: {  	[hbm4b:s17+s2] =	stream.linear.scatter [tilespmem:s12], [sflag:$0x6], $0x8000, $0x38;
	[tilespmem:$0x18080] =	vst v63  }
0x6c: {  	s17 =	spop (v2sf)  }
0x6d: {  	s31 =	sor.u32 s4, s31;
	_ =	swait.ge [sflag:s9], $0x8000  }
0x6e: {  	s31 =	sshrl.u32 s31, $0x3;
	[sflag:s9] =	ssyncset.done $0x0  }
0x6f: {  	s31 =	sadd.s32 s3, s31;
	[sflag:s9] =	ssyncadd.s32 $0xFFFF8000  }
0x70: {  	[tilespmem:s12], [sflag:$0x3] =	stream.linear.gather [hbm4b:s31+s2], $0x8000, $0x38;
	[tilespmem:$0x18080] =	vst v63  }
0x71: {  	_ =	swait.ge [sflag:s11], $0x8000  }
0x72: {  	[sflag:s11] =	ssyncset.done $0x0  }
0x73: {  	s31 =	rddreg [dreg:$0xa];
	[sflag:s11] =	ssyncadd.s32 $0xFFFF8000  }
0x74: {  	[hbm4b:s31+s2] =	stream.linear.scatter [tilespmem:s8], [sflag:$0x4], $0x8000, $0x38;
	[tilespmem:$0x18080] =	vst v63  }
0x75: {  	s30 =	sor.u32 s4, s30;
	_ =	swait.ge [sflag:s6], $0x8000  }
0x76: {  	s30 =	sshrl.u32 s30, $0x3;
	[sflag:s6] =	ssyncset.done $0x0  }
0x77: {  	s30 =	sadd.s32 s3, s30;
	[sflag:s6] =	ssyncadd.s32 $0xFFFF8000  }
0x78: {  	[tilespmem:s8], [sflag:$0x1] =	stream.linear.gather [hbm4b:s30+s2], $0x8000, $0x38;
	[tilespmem:$0x18080] =	vst v63  }
0x79: {  	_ =	swait.ge [sflag:s10], $0x8000  }
0x7a: {  	[sflag:s10] =	ssyncset.done $0x0  }
0x7b: {  	s31 =	rddreg [dreg:$0xb];
	[sflag:s10] =	ssyncadd.s32 $0xFFFF8000  }
0x7c: {  	[hbm4b:s31+s2] =	stream.linear.scatter [tilespmem:s7], [sflag:$0x5], $0x8000, $0x38;
	[tilespmem:$0x18080] =	vst v63  }
0x7d: {  	s29 =	sor.u32 s4, s29;
	_ =	swait.ge [sflag:s5], $0x8000  }
0x7e: {  	s29 =	sshrl.u32 s29, $0x3;
	[sflag:s5] =	ssyncset.done $0x0  }
0x7f: {  	s29 =	sadd.s32 s3, s29;
	[sflag:s5] =	ssyncadd.s32 $0xFFFF8000  }
0x80: {  	[tilespmem:s7], [sflag:$0x2] =	stream.linear.gather [hbm4b:s29+s2], $0x8000, $0x38;
	[tilespmem:$0x18080] =	vst v63  }
0x81: {  	_ =	swait.ge [sflag:s13], $0x8000  }
0x82: {  	[sflag:s13] =	ssyncset.done $0x0  }
0x83: {  	s31 =	rddreg [dreg:$0xc];
	[sflag:s13] =	ssyncadd.s32 $0xFFFF8000  }
0x84: {  	[hbm4b:s31+s2] =	stream.linear.scatter [tilespmem:s12], [sflag:$0x6], $0x8000, $0x38;
	[tilespmem:$0x18080] =	vst v63  }
0x85: {  	s28 =	sor.u32 s4, s28;
	_ =	swait.ge [sflag:s9], $0x8000  }
0x86: {  	s28 =	sshrl.u32 s28, $0x3;
	[sflag:s9] =	ssyncset.done $0x0  }
0x87: {  	s28 =	sadd.s32 s3, s28;
	[sflag:s9] =	ssyncadd.s32 $0xFFFF8000  }
0x88: {  	[tilespmem:s12], [sflag:$0x3] =	stream.linear.gather [hbm4b:s28+s2], $0x8000, $0x38;
	[tilespmem:$0x18080] =	vst v63  }
0x89: {  	_ =	swait.ge [sflag:s11], $0x8000  }
0x8a: {  	[sflag:s11] =	ssyncset.done $0x0  }
0x8b: {  	s30 =	rddreg [dreg:$0xd];
	[sflag:s11] =	ssyncadd.s32 $0xFFFF8000  }
0x8c: {  	[hbm4b:s30+s2] =	stream.linear.scatter [tilespmem:s8], [sflag:$0x4], $0x8000, $0x38;
	[tilespmem:$0x18080] =	vst v63  }
0x8d: {  	s26 =	sor.u32 s4, s26;
	_ =	swait.ge [sflag:s6], $0x8000  }
0x8e: {  	s26 =	sshrl.u32 s26, $0x3;
	[sflag:s6] =	ssyncset.done $0x0  }
0x8f: {  	s26 =	sadd.s32 s3, s26;
	[sflag:s6] =	ssyncadd.s32 $0xFFFF8000  }
0x90: {  	[tilespmem:s8], [sflag:$0x1] =	stream.linear.gather [hbm4b:s26+s2], $0x8000, $0x38;
	[tilespmem:$0x18080] =	vst v63  }
0x91: {  	_ =	swait.ge [sflag:s10], $0x8000  }
0x92: {  	[sflag:s10] =	ssyncset.done $0x0  }
0x93: {  	s31 =	rddreg [dreg:$0xe];
	[sflag:s10] =	ssyncadd.s32 $0xFFFF8000  }
0x94: {  	[hbm4b:s31+s2] =	stream.linear.scatter [tilespmem:s7], [sflag:$0x5], $0x8000, $0x38;
	[tilespmem:$0x18080] =	vst v63  }
0x95: {  	s24 =	sor.u32 s4, s24;
	_ =	swait.ge [sflag:s5], $0x8000  }
0x96: {  	s24 =	sshrl.u32 s24, $0x3;
	[sflag:s5] =	ssyncset.done $0x0  }
0x97: {  	s24 =	sadd.s32 s3, s24;
	[sflag:s5] =	ssyncadd.s32 $0xFFFF8000  }
0x98: {  	[tilespmem:s7], [sflag:$0x2] =	stream.linear.gather [hbm4b:s24+s2], $0x8000, $0x38;
	[tilespmem:$0x18080] =	vst v63  }
0x99: {  	_ =	swait.ge [sflag:s13], $0x8000  }
0x9a: {  	[sflag:s13] =	ssyncset.done $0x0  }
0x9b: {  	s28 =	rddreg [dreg:$0xf];
	[sflag:s13] =	ssyncadd.s32 $0xFFFF8000  }
0x9c: {  	[hbm4b:s28+s2] =	stream.linear.scatter [tilespmem:s12], [sflag:$0x6], $0x8000, $0x38;
	[tilespmem:$0x18080] =	vst v63  }
0x9d: {  	s29 =	sor.u32 s4, s25;
	_ =	swait.ge [sflag:s9], $0x8000  }
0x9e: {  	s24 =	sshrl.u32 s29, $0x3;
	[sflag:s9] =	ssyncset.done $0x0  }
0x9f: {  	s24 =	sadd.s32 s3, s24;
	[sflag:s9] =	ssyncadd.s32 $0xFFFF8000  }
0xa0: {  	[tilespmem:s12], [sflag:$0x3] =	stream.linear.gather [hbm4b:s24+s2], $0x8000, $0x38;
	[tilespmem:$0x18080] =	vst v63  }
0xa1: {  	_ =	swait.ge [sflag:s11], $0x8000  }
0xa2: {  	[sflag:s11] =	ssyncset.done $0x0  }
0xa3: {  	s30 =	rddreg [dreg:$0x10];
	[sflag:s11] =	ssyncadd.s32 $0xFFFF8000  }
0xa4: {  	[hbm4b:s30+s2] =	stream.linear.scatter [tilespmem:s8], [sflag:$0x4], $0x8000, $0x38;
	[tilespmem:$0x18080] =	vst v63  }
0xa5: {  	s15 =	sor.u32 s4, s15;
	_ =	swait.ge [sflag:s6], $0x8000  }
0xa6: {  	s15 =	sshrl.u32 s15, $0x3;
	[sflag:s6] =	ssyncset.done $0x0  }
0xa7: {  	s15 =	sadd.s32 s3, s15;
	[sflag:s6] =	ssyncadd.s32 $0xFFFF8000  }
0xa8: {  	[tilespmem:s8], [sflag:$0x1] =	stream.linear.gather [hbm4b:s15+s2], $0x8000, $0x38;
	[tilespmem:$0x18080] =	vst v63  }
0xa9: {  	_ =	swait.ge [sflag:s10], $0x8000  }
0xaa: {  	[sflag:s10] =	ssyncset.done $0x0  }
0xab: {  	s31 =	rddreg [dreg:$0x11];
	[sflag:s10] =	ssyncadd.s32 $0xFFFF8000  }
0xac: {  	[hbm4b:s31+s2] =	stream.linear.scatter [tilespmem:s7], [sflag:$0x5], $0x8000, $0x38;
	[tilespmem:$0x18080] =	vst v63  }
0xad: {  	s22 =	sor.u32 s4, s22;
	_ =	swait.ge [sflag:s5], $0x8000  }
0xae: {  	s15 =	sshrl.u32 s22, $0x3;
	[sflag:s5] =	ssyncset.done $0x0  }
0xaf: {  	s15 =	sadd.s32 s3, s15;
	[sflag:s5] =	ssyncadd.s32 $0xFFFF8000  }
0xb0: {  	[tilespmem:s7], [sflag:$0x2] =	stream.linear.gather [hbm4b:s15+s2], $0x8000, $0x38;
	[tilespmem:$0x18080] =	vst v63  }
0xb1: {  	_ =	swait.ge [sflag:s13], $0x8000  }
0xb2: {  	[sflag:s13] =	ssyncset.done $0x0  }
0xb3: {  	s24 =	rddreg [dreg:$0x12];
	[sflag:s13] =	ssyncadd.s32 $0xFFFF8000  }
0xb4: {  	[hbm4b:s24+s2] =	stream.linear.scatter [tilespmem:s12], [sflag:$0x6], $0x8000, $0x38;
	[tilespmem:$0x18080] =	vst v63  }
0xb5: {  	s25 =	sor.u32 s4, s23;
	_ =	swait.ge [sflag:s9], $0x8000  }
0xb6: {  	s15 =	sshrl.u32 s25, $0x3;
	[sflag:s9] =	ssyncset.done $0x0  }
0xb7: {  	s15 =	sadd.s32 s3, s15;
	[sflag:s9] =	ssyncadd.s32 $0xFFFF8000  }
0xb8: {  	[tilespmem:s12], [sflag:$0x3] =	stream.linear.gather [hbm4b:s15+s2], $0x8000, $0x38;
	[tilespmem:$0x18080] =	vst v63  }
0xb9: {  	_ =	swait.ge [sflag:s11], $0x8000  }
0xba: {  	[sflag:s11] =	ssyncset.done $0x0  }
0xbb: {  	s26 =	rddreg [dreg:$0x13];
	[sflag:s11] =	ssyncadd.s32 $0xFFFF8000  }
0xbc: {  	[hbm4b:s26+s2] =	stream.linear.scatter [tilespmem:s8], [sflag:$0x4], $0x8000, $0x38;
	[tilespmem:$0x18080] =	vst v63  }
0xbd: {  	s14 =	sor.u32 s4, s14;
	_ =	swait.ge [sflag:s6], $0x8000  }
0xbe: {  	s14 =	sshrl.u32 s14, $0x3;
	[sflag:s6] =	ssyncset.done $0x0  }
0xbf: {  	s14 =	sadd.s32 s3, s14;
	[sflag:s6] =	ssyncadd.s32 $0xFFFF8000  }
0xc0: {  	[tilespmem:s8], [sflag:$0x1] =	stream.linear.gather [hbm4b:s14+s2], $0x8000, $0x38;
	[tilespmem:$0x18080] =	vst v63  }
0xc1: {  	_ =	swait.ge [sflag:s10], $0x8000  }
0xc2: {  	[sflag:s10] =	ssyncset.done $0x0  }
0xc3: {  	s28 =	rddreg [dreg:$0x14];
	[sflag:s10] =	ssyncadd.s32 $0xFFFF8000  }
0xc4: {  	[hbm4b:s28+s2] =	stream.linear.scatter [tilespmem:s7], [sflag:$0x5], $0x8000, $0x38;
	[tilespmem:$0x18080] =	vst v63  }
0xc5: {  	s0 =	sor.u32 s4, s0;
	_ =	swait.ge [sflag:s5], $0x8000  }
0xc6: {  	s0 =	sshrl.u32 s0, $0x3;
	[sflag:s5] =	ssyncset.done $0x0  }
0xc7: {  	s0 =	sadd.s32 s3, s0;
	[sflag:s5] =	ssyncadd.s32 $0xFFFF8000  }
0xc8: {  	[tilespmem:s7], [sflag:$0x2] =	stream.linear.gather [hbm4b:s0+s2], $0x8000, $0x38;
	[tilespmem:$0x18080] =	vst v63  }
0xc9: {  	_ =	swait.ge [sflag:s13], $0x8000  }
0xca: {  	[sflag:s13] =	ssyncset.done $0x0  }
0xcb: {  	s29 =	rddreg [dreg:$0x15];
	[sflag:s13] =	ssyncadd.s32 $0xFFFF8000  }
0xcc: {  	[hbm4b:s29+s2] =	stream.linear.scatter [tilespmem:s12], [sflag:$0x6], $0x8000, $0x38;
	[tilespmem:$0x18080] =	vst v63  }
0xcd: {  	s30 =	sor.u32 s4, s21;
	_ =	swait.ge [sflag:s9], $0x8000  }
0xce: {  	s0 =	sshrl.u32 s30, $0x3;
	[sflag:s9] =	ssyncset.done $0x0  }
0xcf: {  	s0 =	sadd.s32 s3, s0;
	[sflag:s9] =	ssyncadd.s32 $0xFFFF8000  }
0xd0: {  	[tilespmem:s12], [sflag:$0x3] =	stream.linear.gather [hbm4b:s0+s2], $0x8000, $0x38;
	[tilespmem:$0x18080] =	vst v63  }
0xd1: {  	_ =	swait.ge [sflag:s11], $0x8000  }
0xd2: {  	[sflag:s11] =	ssyncset.done $0x0  }
0xd3: {  	s31 =	rddreg [dreg:$0x16];
	[sflag:s11] =	ssyncadd.s32 $0xFFFF8000  }
0xd4: {  	[hbm4b:s31+s2] =	stream.linear.scatter [tilespmem:s8], [sflag:$0x4], $0x8000, $0x38;
	[tilespmem:$0x18080] =	vst v63  }
0xd5: {  	s14 =	sor.u32 s4, s1;
	_ =	swait.ge [sflag:s6], $0x8000  }
0xd6: {  	s0 =	sshrl.u32 s14, $0x3;
	[sflag:s6] =	ssyncset.done $0x0  }
0xd7: {  	s0 =	sadd.s32 s3, s0;
	[sflag:s6] =	ssyncadd.s32 $0xFFFF8000  }
0xd8: {  	[tilespmem:s8], [sflag:$0x1] =	stream.linear.gather [hbm4b:s0+s2], $0x8000, $0x38;
	[tilespmem:$0x18080] =	vst v63  }
0xd9: {  	_ =	swait.ge [sflag:s10], $0x8000  }
0xda: {  	[sflag:s10] =	ssyncset.done $0x0  }
0xdb: {  	s15 =	rddreg [dreg:$0x17];
	[sflag:s10] =	ssyncadd.s32 $0xFFFF8000  }
0xdc: {  	[hbm4b:s15+s2] =	stream.linear.scatter [tilespmem:s7], [sflag:$0x5], $0x8000, $0x38;
	[tilespmem:$0x18080] =	vst v63  }
0xdd: {  	s21 =	sor.u32 s4, s20;
	_ =	swait.ge [sflag:s5], $0x8000  }
0xde: {  	s0 =	sshrl.u32 s21, $0x3;
	[sflag:s5] =	ssyncset.done $0x0  }
0xdf: {  	s0 =	sadd.s32 s3, s0;
	[sflag:s5] =	ssyncadd.s32 $0xFFFF8000  }
0xe0: {  	[tilespmem:s7], [sflag:$0x2] =	stream.linear.gather [hbm4b:s0+s2], $0x8000, $0x38;
	[tilespmem:$0x18080] =	vst v63  }
0xe1: {  	_ =	swait.ge [sflag:s13], $0x8000  }
0xe2: {  	[sflag:s13] =	ssyncset.done $0x0  }
0xe3: {  	s22 =	rddreg [dreg:$0x18];
	[sflag:s13] =	ssyncadd.s32 $0xFFFF8000  }
0xe4: {  	[hbm4b:s22+s2] =	stream.linear.scatter [tilespmem:s12], [sflag:$0x6], $0x8000, $0x38;
	[tilespmem:$0x18080] =	vst v63  }
0xe5: {  	s23 =	sor.u32 s4, s19;
	_ =	swait.ge [sflag:s9], $0x8000  }
0xe6: {  	s0 =	sshrl.u32 s23, $0x3;
	[sflag:s9] =	ssyncset.done $0x0  }
0xe7: {  	s0 =	sadd.s32 s3, s0;
	[sflag:s9] =	ssyncadd.s32 $0xFFFF8000  }
0xe8: {  	[tilespmem:s12], [sflag:$0x3] =	stream.linear.gather [hbm4b:s0+s2], $0x8000, $0x38;
	[tilespmem:$0x18080] =	vst v63  }
0xe9: {  	_ =	swait.ge [sflag:s11], $0x8000  }
0xea: {  	[sflag:s11] =	ssyncset.done $0x0  }
0xeb: {  	s24 =	rddreg [dreg:$0x19];
	[sflag:s11] =	ssyncadd.s32 $0xFFFF8000  }
0xec: {  	[hbm4b:s24+s2] =	stream.linear.scatter [tilespmem:s8], [sflag:$0x4], $0x8000, $0x38;
	[tilespmem:$0x18080] =	vst v63  }
0xed: {  	s25 =	sor.u32 s4, s18;
	_ =	swait.ge [sflag:s6], $0x8000  }
0xee: {  	s0 =	sshrl.u32 s25, $0x3;
	[sflag:s6] =	ssyncset.done $0x0  }
0xef: {  	s0 =	sadd.s32 s3, s0;
	[sflag:s6] =	ssyncadd.s32 $0xFFFF8000  }
0xf0: {  	[tilespmem:s8], [sflag:$0x1] =	stream.linear.gather [hbm4b:s0+s2], $0x8000, $0x38;
	[tilespmem:$0x18080] =	vst v63  }
0xf1: {  	_ =	swait.ge [sflag:s10], $0x8000  }
0xf2: {  	[sflag:s10] =	ssyncset.done $0x0  }
0xf3: {  	s26 =	rddreg [dreg:$0x1a];
	[sflag:s10] =	ssyncadd.s32 $0xFFFF8000  }
0xf4: {  	[hbm4b:s26+s2] =	stream.linear.scatter [tilespmem:s7], [sflag:$0x5], $0x8000, $0x38;
	[tilespmem:$0x18080] =	vst v63  }
0xf5: {  	s28 =	sor.u32 s4, s17;
	_ =	swait.ge [sflag:s5], $0x8000  }
0xf6: {  	s0 =	sshrl.u32 s28, $0x3;
	[sflag:s5] =	ssyncset.done $0x0  }
0xf7: {  	s0 =	sadd.s32 s3, s0;
	[sflag:s5] =	ssyncadd.s32 $0xFFFF8000  }
0xf8: {  	[tilespmem:s7], [sflag:$0x2] =	stream.linear.gather [hbm4b:s0+s2], $0x8000, $0x38;
	[tilespmem:$0x18080] =	vst v63  }
0xf9: {  	_ =	swait.ge [sflag:s13], $0x8000  }
0xfa: {  	[sflag:s13] =	ssyncset.done $0x0  }
0xfb: {  	s29 =	rddreg [dreg:$0x1b];
	[sflag:s13] =	ssyncadd.s32 $0xFFFF8000  }
0xfc: {  	[hbm4b:s29+s2] =	stream.linear.scatter [tilespmem:s12], [sflag:$0x6], $0x8000, $0x38;
	[tilespmem:$0x18080] =	vst v63  }
0xfd: {  	_ =	swait.ge [sflag:s11], $0x8000  }
0xfe: {  	[sflag:s11] =	ssyncset.done $0x0  }
0xff: {  	s30 =	rddreg [dreg:$0x1c];
	[sflag:s11] =	ssyncadd.s32 $0xFFFF8000  }
0x100: {  	[hbm4b:s30+s2] =	stream.linear.scatter [tilespmem:s8], [sflag:$0x4], $0x8000, $0x38;
	[tilespmem:$0x18080] =	vst v63  }
0x101: {  	_ =	swait.ge [sflag:s10], $0x8000  }
0x102: {  	[sflag:s10] =	ssyncset.done $0x0  }
0x103: {  	s31 =	rddreg [dreg:$0x1d];
	[sflag:s10] =	ssyncadd.s32 $0xFFFF8000  }
0x104: {  	[hbm4b:s31+s2] =	stream.linear.scatter [tilespmem:s7], [sflag:$0x5], $0x8000, $0x38;
	[tilespmem:$0x18080] =	vst v63  }
0x105: {  	_ =	swait.ge [sflag:s9], $0x8000  }
0x106: {  	[sflag:s9] =	ssyncset.done $0x0  }
0x107: {  	p1 =	sne.s32 s16, $0x1;
	[sflag:s9] =	ssyncadd.s32 $0xFFFF8000  }
.Ltmp1:
0x108: {  	_ =	swait.ge [sflag:s6], $0x8000;
	(pc) =	sbr.rel @!p1 .LBB2_2-.Ltmp1, $4  }
0x109: {  	[sflag:s6] =	ssyncset.done $0x0  }
0x10a: {  	[sflag:s6] =	ssyncadd.s32 $0xFFFF8000  }
0x10b: {  	p0 =	por $0x1, $0x1;
	_ =	swait.ge [sflag:s5], $0x8000  }
0x10c: {  	s16 =	sadd.s32 $0xFFFFFFFF, s16;
	s0 =	rddreg [dreg:$0x4];
	[sflag:s5] =	ssyncset.done $0x0  }
.LBB2_3:
0x10d: {  	[sflag:s5] =	ssyncadd.s32 $0xFFFF8000;
	s18 =	simm.s32 $0x7  }
0x10e: {  	[tilespmem:s2], [sflag:$0x7] =	stream.linear.gather [hbm4b:s0+s2], $0x80, $0x38;
	[tilespmem:$0x18080] =	vst v63  }
0x10f: {  	_ =	swait.ge [sflag:s18], $0x80  }
0x110: {  	[sflag:s18] =	ssyncset.done $0x0  }
0x111: {  	[sflag:s18] =	ssyncadd.s32 $0xFFFFFF80  }
0x112: {  	v0 =	vld [tilespmem:$0x0];
	_ =	sdelay $0x4  }
0x113: {  	v0 =	vshll.u32 v0, $0x14  }
0x114: {  	(v2sf) =	vpush v0, $0x0  }
0x115: {  	(v2sf) =	vpush v0, $0x1  }
0x116: {  	(v2sf) =	vpush v0, $0x2;
	_ =	sdelay $0x2  }
0x117: {  	(v2sf) =	vpush v0, $0x3;
	_ =	sdelay $0x1  }
0x118: {  	(v2sf) =	vpush v0, $0x4;
	_ =	sdelay $0x2  }
0x119: {  	(v2sf) =	vpush v0, $0x5  }
0x11a: {  	(v2sf) =	vpush v0, $0x6;
	_ =	sdelay $0x2  }
0x11b: {  	(v2sf) =	vpush v0, $0x7  }
0x11c: {  	s19 =	spop (v2sf)  }
0x11d: {  	s0 =	sor.u32 s4, s19;
	s1 =	spop (v2sf)  }
0x11e: {  	s0 =	sshrl.u32 s0, $0x3;
	s1 =	sor.u32 s4, s1;
	s14 =	spop (v2sf)  }
0x11f: {  	(v2sf) =	vpush v0, $0x8;
	s0 =	sadd.s32 s3, s0;
	s1 =	sshrl.u32 s1, $0x3;
	s14 =	sor.u32 s4, s14  }
0x120: {  	v1 =	vld [tilespmem:$0xA];
	(v2sf) =	vpush v0, $0x9;
	[tilespmem:s8], [sflag:$0x1] =	stream.linear.gather [hbm4b:s0+s2], $0x8000, $0x38  }
0x121: {  	s22 =	spop (v2sf);
	s20 =	sadd.s32 s3, s1;
	s21 =	sshrl.u32 s14, $0x3;
	(v2sf) =	vpush v0, $0xA  }
0x122: {  	[tilespmem:s7], [sflag:$0x2] =	stream.linear.gather [hbm4b:s20+s2], $0x8000, $0x38;
	[tilespmem:$0x18080] =	vst v63  }
0x123: {  	s25 =	spop (v2sf);
	s23 =	sadd.s32 s3, s21  }
0x124: {  	(v2sf) =	vpush v0, $0xB;
	[tilespmem:s12], [sflag:$0x3] =	stream.linear.gather [hbm4b:s23+s2], $0x8000, $0x38;
	[tilespmem:$0x18080] =	vst v63  }
0x125: {  	_ =	swait.ge [sflag:s11], $0x8000  }
0x126: {  	[sflag:s11] =	ssyncset.done $0x0;
	s29 =	spop (v2sf)  }
0x127: {  	s17 =	rddreg [dreg:$0x1e];
	[sflag:s11] =	ssyncadd.s32 $0xFFFF8000;
	s15 =	spop (v2sf);
	(v2sf) =	vpush v0, $0xC  }
0x128: {  	[hbm4b:s17+s2] =	stream.linear.scatter [tilespmem:s8], [sflag:$0x4], $0x8000, $0x38;
	(v2sf) =	vpush v0, $0xD;
	[tilespmem:$0x18080] =	vst v63  }
0x129: {  	v1 =	vshll.u32 v1, $0x14;
	s24 =	sor.u32 s4, s22;
	_ =	swait.ge [sflag:s6], $0x8000  }
0x12a: {  	s26 =	sshrl.u32 s24, $0x3;
	[sflag:s6] =	ssyncset.done $0x0;
	s31 =	spop (v2sf);
	(v2sf) =	vpush v1, $0x6  }
0x12b: {  	s28 =	sor.u32 s4, s25;
	s0 =	sadd.s32 s3, s26;
	[sflag:s6] =	ssyncadd.s32 $0xFFFF8000  }
0x12c: {  	(v2sf) =	vpush v0, $0xE;
	[tilespmem:s8], [sflag:$0x1] =	stream.linear.gather [hbm4b:s0+s2], $0x8000, $0x38;
	[tilespmem:$0x18080] =	vst v63  }
0x12d: {  	s1 =	sshrl.u32 s28, $0x3;
	s14 =	sor.u32 s4, s29;
	_ =	swait.ge [sflag:s10], $0x8000  }
0x12e: {  	s19 =	sshrl.u32 s14, $0x3;
	s30 =	sor.u32 s4, s15;
	s15 =	spop (v2sf)  }
0x12f: {  	s18 =	sshrl.u32 s30, $0x3;
	[sflag:s10] =	ssyncset.done $0x0;
	s21 =	spop (v2sf)  }
0x130: {  	s20 =	rddreg [dreg:$0x5];
	[sflag:s10] =	ssyncadd.s32 $0xFFFF8000;
	s23 =	spop (v2sf);
	(v2sf) =	vpush v1, $0x7  }
0x131: {  	[hbm4b:s20+s2] =	stream.linear.scatter [tilespmem:s7], [sflag:$0x5], $0x8000, $0x38;
	(v2sf) =	vpush v0, $0xF;
	[tilespmem:$0x18080] =	vst v63  }
0x132: {  	s19 =	sadd.s32 s3, s19;
	s18 =	sadd.s32 s3, s18;
	_ =	swait.ge [sflag:s5], $0x8000  }
0x133: {  	s14 =	sor.u32 s4, s31;
	s22 =	sor.u32 s4, s21;
	[sflag:s5] =	ssyncset.done $0x0  }
0x134: {  	s21 =	sadd.s32 s3, s1;
	s24 =	spop (v2sf);
	(v2sf) =	vpush v1, $0x8;
	[sflag:s5] =	ssyncadd.s32 $0xFFFF8000  }
0x135: {  	(v2sf) =	vpush v1, $0x9;
	[tilespmem:s7], [sflag:$0x2] =	stream.linear.gather [hbm4b:s21+s2], $0x8000, $0x38;
	[tilespmem:$0x18080] =	vst v63  }
0x136: {  	s17 =	sshrl.u32 s14, $0x3;
	s0 =	sor.u32 s4, s15;
	_ =	swait.ge [sflag:s13], $0x8000  }
0x137: {  	s15 =	sshrl.u32 s0, $0x3;
	s14 =	sshrl.u32 s22, $0x3;
	s25 =	spop (v2sf);
	(v2sf) =	vpush v1, $0xA  }
0x138: {  	s20 =	sor.u32 s4, s24;
	[sflag:s13] =	ssyncset.done $0x0;
	s22 =	spop (v2sf)  }
0x139: {  	s26 =	rddreg [dreg:$0x6];
	[sflag:s13] =	ssyncadd.s32 $0xFFFF8000;
	s29 =	spop (v2sf)  }
0x13a: {  	(v2sf) =	vpush v1, $0xB;
	[hbm4b:s26+s2] =	stream.linear.scatter [tilespmem:s12], [sflag:$0x6], $0x8000, $0x38;
	[tilespmem:$0x18080] =	vst v63  }
0x13b: {  	s1 =	sshrl.u32 s20, $0x3;
	s20 =	sor.u32 s4, s25;
	_ =	swait.ge [sflag:s9], $0x8000  }
0x13c: {  	s28 =	sor.u32 s4, s22;
	s22 =	spop (v2sf);
	(v2sf) =	vpush v1, $0xC;
	[sflag:s9] =	ssyncset.done $0x0  }
0x13d: {  	s0 =	sor.u32 s4, s23;
	s31 =	sshrl.u32 s20, $0x3;
	[sflag:s9] =	ssyncadd.s32 $0xFFFF8000  }
0x13e: {  	(v2sf) =	vpush v1, $0xD;
	[tilespmem:s12], [sflag:$0x3] =	stream.linear.gather [hbm4b:s19+s2], $0x8000, $0x38;
	[tilespmem:$0x18080] =	vst v63  }
0x13f: {  	s30 =	sshrl.u32 s28, $0x3;
	s20 =	sor.u32 s4, s29;
	_ =	swait.ge [sflag:s11], $0x8000  }
0x140: {  	s21 =	sor.u32 s4, s22;
	s23 =	spop (v2sf);
	[sflag:s11] =	ssyncset.done $0x0  }
0x141: {  	(v2sf) =	vpush v1, $0xE;
	s24 =	rddreg [dreg:$0x7];
	s28 =	spop (v2sf);
	[sflag:s11] =	ssyncadd.s32 $0xFFFF8000  }
0x142: {  	[hbm4b:s24+s2] =	stream.linear.scatter [tilespmem:s8], [sflag:$0x4], $0x8000, $0x38;
	[tilespmem:$0x18080] =	vst v63  }
0x143: {  	s26 =	sshrl.u32 s20, $0x3;
	s29 =	sshrl.u32 s21, $0x3;
	s12 =	spop (v2sf);
	(v2sf) =	vpush v1, $0xF  }
0x144: {  	s25 =	sor.u32 s4, s23;
	s19 =	sor.u32 s4, s28;
	_ =	swait.ge [sflag:s6], $0x8000  }
0x145: {  	s28 =	sshrl.u32 s19, $0x3;
	s23 =	spop (v2sf);
	[sflag:s6] =	ssyncset.done $0x0  }
0x146: {  	s22 =	sor.u32 s4, s12;
	[sflag:s6] =	ssyncadd.s32 $0xFFFF8000;
	s12 =	spop (v2sf)  }
0x147: {  	[tilespmem:s8], [sflag:$0x1] =	stream.linear.gather [hbm4b:s18+s2], $0x8000, $0x38;
	[tilespmem:$0x18080] =	vst v63  }
0x148: {  	s24 =	sshrl.u32 s22, $0x3;
	s19 =	sor.u32 s4, s23;
	_ =	swait.ge [sflag:s10], $0x8000  }
0x149: {  	s23 =	sshrl.u32 s19, $0x3;
	s19 =	sor.u32 s4, s12;
	s21 =	spop (v2sf)  }
0x14a: {  	s20 =	rddreg [dreg:$0x8];
	s22 =	sshrl.u32 s19, $0x3;
	[sflag:s10] =	ssyncset.done $0x0  }
0x14b: {  	s12 =	sor.u32 s4, s21;
	[sflag:s10] =	ssyncadd.s32 $0xFFFF8000;
	s19 =	spop (v2sf)  }
0x14c: {  	[hbm4b:s20+s2] =	stream.linear.scatter [tilespmem:s7], [sflag:$0x5], $0x8000, $0x38;
	[tilespmem:$0x18080] =	vst v63  }
0x14d: {  	s21 =	sshrl.u32 s12, $0x3;
	s12 =	spop (v2sf)  }
0x14e: {  	_ =	swait.ge [sflag:s5], $0x8000  }
0x14f: {  	s17 =	sadd.s32 s3, s17;
	s18 =	sor.u32 s4, s19;
	[sflag:s5] =	ssyncset.done $0x0  }
0x150: {  	s19 =	sor.u32 s4, s12;
	s12 =	spop (v2sf);
	[sflag:s5] =	ssyncadd.s32 $0xFFFF8000  }
0x151: {  	[tilespmem:s7], [sflag:$0x2] =	stream.linear.gather [hbm4b:s17+s2], $0x8000, $0x38;
	[tilespmem:$0x18080] =	vst v63  }
0x152: {  	s20 =	sshrl.u32 s18, $0x3;
	_ =	swait.ge [sflag:s13], $0x8000  }
0x153: {  	s18 =	sor.u32 s4, s12;
	s7 =	simm.s32 $0x10080;
	[sflag:s13] =	ssyncset.done $0x0  }
0x154: {  	s17 =	spop (v2sf);
	s12 =	rddreg [dreg:$0x9];
	[sflag:s13] =	ssyncadd.s32 $0xFFFF8000  }
0x155: {  	[hbm4b:s12+s2] =	stream.linear.scatter [tilespmem:s7], [sflag:$0x6], $0x8000, $0x38;
	[tilespmem:$0x18080] =	vst v63  }
0x156: {  	_ =	swait.ge [sflag:s9], $0x8000  }
0x157: {  	[sflag:s9] =	ssyncset.done $0x0  }
0x158: {  	s15 =	sadd.s32 s3, s15;
	[sflag:s9] =	ssyncadd.s32 $0xFFFF8000  }
0x159: {  	[tilespmem:s7], [sflag:$0x3] =	stream.linear.gather [hbm4b:s15+s2], $0x8000, $0x38;
	[tilespmem:$0x18080] =	vst v63  }
0x15a: {  	_ =	swait.ge [sflag:s11], $0x8000  }
0x15b: {  	[sflag:s11] =	ssyncset.done $0x0  }
0x15c: {  	s15 =	rddreg [dreg:$0xa];
	[sflag:s11] =	ssyncadd.s32 $0xFFFF8000  }
0x15d: {  	[hbm4b:s15+s2] =	stream.linear.scatter [tilespmem:s8], [sflag:$0x4], $0x8000, $0x38;
	[tilespmem:$0x18080] =	vst v63  }
0x15e: {  	_ =	swait.ge [sflag:s6], $0x8000  }
0x15f: {  	[sflag:s6] =	ssyncset.done $0x0  }
0x160: {  	s15 =	sadd.s32 s3, s14;
	[sflag:s6] =	ssyncadd.s32 $0xFFFF8000  }
0x161: {  	[tilespmem:s8], [sflag:$0x1] =	stream.linear.gather [hbm4b:s15+s2], $0x8000, $0x38;
	[tilespmem:$0x18080] =	vst v63  }
0x162: {  	_ =	swait.ge [sflag:s10], $0x8000  }
0x163: {  	[sflag:s10] =	ssyncset.done $0x0  }
0x164: {  	s7 =	simm.s32 $0x8080;
	s14 =	rddreg [dreg:$0xb];
	[sflag:s10] =	ssyncadd.s32 $0xFFFF8000  }
0x165: {  	[hbm4b:s14+s2] =	stream.linear.scatter [tilespmem:s7], [sflag:$0x5], $0x8000, $0x38;
	[tilespmem:$0x18080] =	vst v63  }
0x166: {  	_ =	swait.ge [sflag:s5], $0x8000  }
0x167: {  	s0 =	sshrl.u32 s0, $0x3;
	[sflag:s5] =	ssyncset.done $0x0  }
0x168: {  	s0 =	sadd.s32 s3, s0;
	[sflag:s5] =	ssyncadd.s32 $0xFFFF8000  }
0x169: {  	[tilespmem:s7], [sflag:$0x2] =	stream.linear.gather [hbm4b:s0+s2], $0x8000, $0x38;
	[tilespmem:$0x18080] =	vst v63  }
0x16a: {  	_ =	swait.ge [sflag:s13], $0x8000  }
0x16b: {  	[sflag:s13] =	ssyncset.done $0x0  }
0x16c: {  	s12 =	simm.s32 $0x10080;
	s15 =	rddreg [dreg:$0xc];
	[sflag:s13] =	ssyncadd.s32 $0xFFFF8000  }
0x16d: {  	[hbm4b:s15+s2] =	stream.linear.scatter [tilespmem:s12], [sflag:$0x6], $0x8000, $0x38;
	[tilespmem:$0x18080] =	vst v63  }
0x16e: {  	_ =	swait.ge [sflag:s9], $0x8000  }
0x16f: {  	[sflag:s9] =	ssyncset.done $0x0  }
0x170: {  	s1 =	sadd.s32 s3, s1;
	[sflag:s9] =	ssyncadd.s32 $0xFFFF8000  }
0x171: {  	[tilespmem:s12], [sflag:$0x3] =	stream.linear.gather [hbm4b:s1+s2], $0x8000, $0x38;
	[tilespmem:$0x18080] =	vst v63  }
0x172: {  	_ =	swait.ge [sflag:s11], $0x8000  }
0x173: {  	[sflag:s11] =	ssyncset.done $0x0  }
0x174: {  	s14 =	rddreg [dreg:$0xd];
	[sflag:s11] =	ssyncadd.s32 $0xFFFF8000  }
0x175: {  	[hbm4b:s14+s2] =	stream.linear.scatter [tilespmem:s8], [sflag:$0x4], $0x8000, $0x38;
	[tilespmem:$0x18080] =	vst v63  }
0x176: {  	_ =	swait.ge [sflag:s6], $0x8000  }
0x177: {  	[sflag:s6] =	ssyncset.done $0x0  }
0x178: {  	s15 =	sadd.s32 s3, s31;
	[sflag:s6] =	ssyncadd.s32 $0xFFFF8000  }
0x179: {  	[tilespmem:s8], [sflag:$0x1] =	stream.linear.gather [hbm4b:s15+s2], $0x8000, $0x38;
	[tilespmem:$0x18080] =	vst v63  }
0x17a: {  	_ =	swait.ge [sflag:s10], $0x8000  }
0x17b: {  	[sflag:s10] =	ssyncset.done $0x0  }
0x17c: {  	s31 =	rddreg [dreg:$0xe];
	[sflag:s10] =	ssyncadd.s32 $0xFFFF8000  }
0x17d: {  	[hbm4b:s31+s2] =	stream.linear.scatter [tilespmem:s7], [sflag:$0x5], $0x8000, $0x38;
	[tilespmem:$0x18080] =	vst v63  }
0x17e: {  	_ =	swait.ge [sflag:s5], $0x8000  }
0x17f: {  	[sflag:s5] =	ssyncset.done $0x0  }
0x180: {  	s1 =	sadd.s32 s3, s30;
	[sflag:s5] =	ssyncadd.s32 $0xFFFF8000  }
0x181: {  	[tilespmem:s7], [sflag:$0x2] =	stream.linear.gather [hbm4b:s1+s2], $0x8000, $0x38;
	[tilespmem:$0x18080] =	vst v63  }
0x182: {  	_ =	swait.ge [sflag:s13], $0x8000  }
0x183: {  	[sflag:s13] =	ssyncset.done $0x0  }
0x184: {  	s14 =	rddreg [dreg:$0xf];
	[sflag:s13] =	ssyncadd.s32 $0xFFFF8000  }
0x185: {  	[hbm4b:s14+s2] =	stream.linear.scatter [tilespmem:s12], [sflag:$0x6], $0x8000, $0x38;
	[tilespmem:$0x18080] =	vst v63  }
0x186: {  	_ =	swait.ge [sflag:s9], $0x8000  }
0x187: {  	[sflag:s9] =	ssyncset.done $0x0  }
0x188: {  	s15 =	sadd.s32 s3, s29;
	[sflag:s9] =	ssyncadd.s32 $0xFFFF8000  }
0x189: {  	[tilespmem:s12], [sflag:$0x3] =	stream.linear.gather [hbm4b:s15+s2], $0x8000, $0x38;
	[tilespmem:$0x18080] =	vst v63  }
0x18a: {  	_ =	swait.ge [sflag:s11], $0x8000  }
0x18b: {  	[sflag:s11] =	ssyncset.done $0x0  }
0x18c: {  	s29 =	rddreg [dreg:$0x10];
	[sflag:s11] =	ssyncadd.s32 $0xFFFF8000  }
0x18d: {  	[hbm4b:s29+s2] =	stream.linear.scatter [tilespmem:s8], [sflag:$0x4], $0x8000, $0x38;
	[tilespmem:$0x18080] =	vst v63  }
0x18e: {  	_ =	swait.ge [sflag:s6], $0x8000  }
0x18f: {  	[sflag:s6] =	ssyncset.done $0x0  }
0x190: {  	s30 =	sadd.s32 s3, s28;
	[sflag:s6] =	ssyncadd.s32 $0xFFFF8000  }
0x191: {  	[tilespmem:s8], [sflag:$0x1] =	stream.linear.gather [hbm4b:s30+s2], $0x8000, $0x38;
	[tilespmem:$0x18080] =	vst v63  }
0x192: {  	_ =	swait.ge [sflag:s10], $0x8000  }
0x193: {  	[sflag:s10] =	ssyncset.done $0x0  }
0x194: {  	s31 =	rddreg [dreg:$0x11];
	[sflag:s10] =	ssyncadd.s32 $0xFFFF8000  }
0x195: {  	[hbm4b:s31+s2] =	stream.linear.scatter [tilespmem:s7], [sflag:$0x5], $0x8000, $0x38;
	[tilespmem:$0x18080] =	vst v63  }
0x196: {  	_ =	swait.ge [sflag:s5], $0x8000  }
0x197: {  	[sflag:s5] =	ssyncset.done $0x0  }
0x198: {  	s1 =	sadd.s32 s3, s26;
	[sflag:s5] =	ssyncadd.s32 $0xFFFF8000  }
0x199: {  	[tilespmem:s7], [sflag:$0x2] =	stream.linear.gather [hbm4b:s1+s2], $0x8000, $0x38;
	[tilespmem:$0x18080] =	vst v63  }
0x19a: {  	_ =	swait.ge [sflag:s13], $0x8000  }
0x19b: {  	[sflag:s13] =	ssyncset.done $0x0  }
0x19c: {  	s14 =	rddreg [dreg:$0x12];
	[sflag:s13] =	ssyncadd.s32 $0xFFFF8000  }
0x19d: {  	[hbm4b:s14+s2] =	stream.linear.scatter [tilespmem:s12], [sflag:$0x6], $0x8000, $0x38;
	[tilespmem:$0x18080] =	vst v63  }
0x19e: {  	_ =	swait.ge [sflag:s9], $0x8000  }
0x19f: {  	s15 =	sshrl.u32 s25, $0x3;
	[sflag:s9] =	ssyncset.done $0x0  }
0x1a0: {  	s0 =	sadd.s32 s3, s15;
	[sflag:s9] =	ssyncadd.s32 $0xFFFF8000  }
0x1a1: {  	[tilespmem:s12], [sflag:$0x3] =	stream.linear.gather [hbm4b:s0+s2], $0x8000, $0x38;
	[tilespmem:$0x18080] =	vst v63  }
0x1a2: {  	_ =	swait.ge [sflag:s11], $0x8000  }
0x1a3: {  	[sflag:s11] =	ssyncset.done $0x0  }
0x1a4: {  	s25 =	rddreg [dreg:$0x13];
	[sflag:s11] =	ssyncadd.s32 $0xFFFF8000  }
0x1a5: {  	[hbm4b:s25+s2] =	stream.linear.scatter [tilespmem:s8], [sflag:$0x4], $0x8000, $0x38;
	[tilespmem:$0x18080] =	vst v63  }
0x1a6: {  	_ =	swait.ge [sflag:s6], $0x8000  }
0x1a7: {  	[sflag:s6] =	ssyncset.done $0x0  }
0x1a8: {  	s26 =	sadd.s32 s3, s24;
	[sflag:s6] =	ssyncadd.s32 $0xFFFF8000  }
0x1a9: {  	[tilespmem:s8], [sflag:$0x1] =	stream.linear.gather [hbm4b:s26+s2], $0x8000, $0x38;
	[tilespmem:$0x18080] =	vst v63  }
0x1aa: {  	_ =	swait.ge [sflag:s10], $0x8000  }
0x1ab: {  	[sflag:s10] =	ssyncset.done $0x0  }
0x1ac: {  	s28 =	rddreg [dreg:$0x14];
	[sflag:s10] =	ssyncadd.s32 $0xFFFF8000  }
0x1ad: {  	[hbm4b:s28+s2] =	stream.linear.scatter [tilespmem:s7], [sflag:$0x5], $0x8000, $0x38;
	[tilespmem:$0x18080] =	vst v63  }
0x1ae: {  	_ =	swait.ge [sflag:s5], $0x8000  }
0x1af: {  	[sflag:s5] =	ssyncset.done $0x0  }
0x1b0: {  	s29 =	sadd.s32 s3, s23;
	[sflag:s5] =	ssyncadd.s32 $0xFFFF8000  }
0x1b1: {  	[tilespmem:s7], [sflag:$0x2] =	stream.linear.gather [hbm4b:s29+s2], $0x8000, $0x38;
	[tilespmem:$0x18080] =	vst v63  }
0x1b2: {  	_ =	swait.ge [sflag:s13], $0x8000  }
0x1b3: {  	[sflag:s13] =	ssyncset.done $0x0  }
0x1b4: {  	s30 =	rddreg [dreg:$0x15];
	[sflag:s13] =	ssyncadd.s32 $0xFFFF8000  }
0x1b5: {  	[hbm4b:s30+s2] =	stream.linear.scatter [tilespmem:s12], [sflag:$0x6], $0x8000, $0x38;
	[tilespmem:$0x18080] =	vst v63  }
0x1b6: {  	_ =	swait.ge [sflag:s9], $0x8000  }
0x1b7: {  	[sflag:s9] =	ssyncset.done $0x0  }
0x1b8: {  	s31 =	sadd.s32 s3, s22;
	[sflag:s9] =	ssyncadd.s32 $0xFFFF8000  }
0x1b9: {  	[tilespmem:s12], [sflag:$0x3] =	stream.linear.gather [hbm4b:s31+s2], $0x8000, $0x38;
	[tilespmem:$0x18080] =	vst v63  }
0x1ba: {  	_ =	swait.ge [sflag:s11], $0x8000  }
0x1bb: {  	[sflag:s11] =	ssyncset.done $0x0  }
0x1bc: {  	s1 =	rddreg [dreg:$0x16];
	[sflag:s11] =	ssyncadd.s32 $0xFFFF8000  }
0x1bd: {  	[hbm4b:s1+s2] =	stream.linear.scatter [tilespmem:s8], [sflag:$0x4], $0x8000, $0x38;
	[tilespmem:$0x18080] =	vst v63  }
0x1be: {  	_ =	swait.ge [sflag:s6], $0x8000  }
0x1bf: {  	[sflag:s6] =	ssyncset.done $0x0  }
0x1c0: {  	s14 =	sadd.s32 s3, s21;
	[sflag:s6] =	ssyncadd.s32 $0xFFFF8000  }
0x1c1: {  	[tilespmem:s8], [sflag:$0x1] =	stream.linear.gather [hbm4b:s14+s2], $0x8000, $0x38;
	[tilespmem:$0x18080] =	vst v63  }
0x1c2: {  	_ =	swait.ge [sflag:s10], $0x8000  }
0x1c3: {  	[sflag:s10] =	ssyncset.done $0x0  }
0x1c4: {  	s15 =	rddreg [dreg:$0x17];
	[sflag:s10] =	ssyncadd.s32 $0xFFFF8000  }
0x1c5: {  	[hbm4b:s15+s2] =	stream.linear.scatter [tilespmem:s7], [sflag:$0x5], $0x8000, $0x38;
	[tilespmem:$0x18080] =	vst v63  }
0x1c6: {  	_ =	swait.ge [sflag:s5], $0x8000  }
0x1c7: {  	[sflag:s5] =	ssyncset.done $0x0  }
0x1c8: {  	s21 =	sadd.s32 s3, s20;
	[sflag:s5] =	ssyncadd.s32 $0xFFFF8000  }
0x1c9: {  	[tilespmem:s7], [sflag:$0x2] =	stream.linear.gather [hbm4b:s21+s2], $0x8000, $0x38;
	[tilespmem:$0x18080] =	vst v63  }
0x1ca: {  	_ =	swait.ge [sflag:s13], $0x8000  }
0x1cb: {  	[sflag:s13] =	ssyncset.done $0x0  }
0x1cc: {  	s22 =	rddreg [dreg:$0x18];
	[sflag:s13] =	ssyncadd.s32 $0xFFFF8000  }
0x1cd: {  	[hbm4b:s22+s2] =	stream.linear.scatter [tilespmem:s12], [sflag:$0x6], $0x8000, $0x38;
	[tilespmem:$0x18080] =	vst v63  }
0x1ce: {  	_ =	swait.ge [sflag:s9], $0x8000  }
0x1cf: {  	s19 =	sshrl.u32 s19, $0x3;
	[sflag:s9] =	ssyncset.done $0x0  }
0x1d0: {  	s23 =	sadd.s32 s3, s19;
	[sflag:s9] =	ssyncadd.s32 $0xFFFF8000  }
0x1d1: {  	[tilespmem:s12], [sflag:$0x3] =	stream.linear.gather [hbm4b:s23+s2], $0x8000, $0x38;
	[tilespmem:$0x18080] =	vst v63  }
0x1d2: {  	_ =	swait.ge [sflag:s11], $0x8000  }
0x1d3: {  	[sflag:s11] =	ssyncset.done $0x0  }
0x1d4: {  	s24 =	rddreg [dreg:$0x19];
	[sflag:s11] =	ssyncadd.s32 $0xFFFF8000  }
0x1d5: {  	[hbm4b:s24+s2] =	stream.linear.scatter [tilespmem:s8], [sflag:$0x4], $0x8000, $0x38;
	[tilespmem:$0x18080] =	vst v63  }
0x1d6: {  	_ =	swait.ge [sflag:s6], $0x8000  }
0x1d7: {  	s18 =	sshrl.u32 s18, $0x3;
	[sflag:s6] =	ssyncset.done $0x0  }
0x1d8: {  	s25 =	sadd.s32 s3, s18;
	[sflag:s6] =	ssyncadd.s32 $0xFFFF8000  }
0x1d9: {  	[tilespmem:s8], [sflag:$0x1] =	stream.linear.gather [hbm4b:s25+s2], $0x8000, $0x38;
	[tilespmem:$0x18080] =	vst v63  }
0x1da: {  	_ =	swait.ge [sflag:s10], $0x8000  }
0x1db: {  	[sflag:s10] =	ssyncset.done $0x0  }
0x1dc: {  	s26 =	rddreg [dreg:$0x1a];
	[sflag:s10] =	ssyncadd.s32 $0xFFFF8000  }
0x1dd: {  	[hbm4b:s26+s2] =	stream.linear.scatter [tilespmem:s7], [sflag:$0x5], $0x8000, $0x38;
	[tilespmem:$0x18080] =	vst v63  }
0x1de: {  	s17 =	sor.u32 s4, s17;
	_ =	swait.ge [sflag:s5], $0x8000  }
0x1df: {  	s17 =	sshrl.u32 s17, $0x3;
	[sflag:s5] =	ssyncset.done $0x0  }
0x1e0: {  	s28 =	sadd.s32 s3, s17;
	[sflag:s5] =	ssyncadd.s32 $0xFFFF8000  }
0x1e1: {  	[tilespmem:s7], [sflag:$0x2] =	stream.linear.gather [hbm4b:s28+s2], $0x8000, $0x38;
	[tilespmem:$0x18080] =	vst v63  }
0x1e2: {  	_ =	swait.ge [sflag:s13], $0x8000  }
0x1e3: {  	[sflag:s13] =	ssyncset.done $0x0  }
0x1e4: {  	s29 =	rddreg [dreg:$0x1b];
	[sflag:s13] =	ssyncadd.s32 $0xFFFF8000  }
0x1e5: {  	[hbm4b:s29+s2] =	stream.linear.scatter [tilespmem:s12], [sflag:$0x6], $0x8000, $0x38;
	[tilespmem:$0x18080] =	vst v63  }
0x1e6: {  	_ =	swait.ge [sflag:s11], $0x8000  }
0x1e7: {  	[sflag:s11] =	ssyncset.done $0x0  }
0x1e8: {  	s30 =	rddreg [dreg:$0x1c];
	[sflag:s11] =	ssyncadd.s32 $0xFFFF8000  }
0x1e9: {  	[hbm4b:s30+s2] =	stream.linear.scatter [tilespmem:s8], [sflag:$0x4], $0x8000, $0x38;
	[tilespmem:$0x18080] =	vst v63  }
0x1ea: {  	_ =	swait.ge [sflag:s10], $0x8000  }
0x1eb: {  	[sflag:s10] =	ssyncset.done $0x0  }
0x1ec: {  	s31 =	rddreg [dreg:$0x1d];
	[sflag:s10] =	ssyncadd.s32 $0xFFFF8000  }
0x1ed: {  	[hbm4b:s31+s2] =	stream.linear.scatter [tilespmem:s7], [sflag:$0x5], $0x8000, $0x38;
	[tilespmem:$0x18080] =	vst v63  }
0x1ee: {  	_ =	swait.ge [sflag:s9], $0x8000  }
0x1ef: {  	[sflag:s9] =	ssyncset.done $0x0  }
0x1f0: {  	p1 =	sne.s32 s16, $0x1;
	[sflag:s9] =	ssyncadd.s32 $0xFFFF8000  }
.Ltmp2:
0x1f1: {  	_ =	swait.ge [sflag:s6], $0x8000;
	(pc) =	sbr.rel @p1 .LBB2_3-.Ltmp2, $4  }
0x1f2: {  	[sflag:s6] =	ssyncset.done $0x0  }
0x1f3: {  	[sflag:s6] =	ssyncadd.s32 $0xFFFF8000  }
0x1f4: {  	_ =	swait.ge [sflag:s5], $0x8000  }
0x1f5: {  	s16 =	sadd.s32 $0xFFFFFFFF, s16;
	s0 =	rddreg [dreg:$0x4];
	[sflag:s5] =	ssyncset.done $0x0  }
0x1f6: {  	s16 =	stileid.u32;
	s17 =	rddreg [dreg:$0x1e];
	s1 =	simm.s32 $0x7  }
.LBB2_5:
0x1f7: {  	[sflag:s5] =	ssyncadd.s32 @p0 $0xFFFF8000  }
0x1f8: {  	[tilespmem:s2], [sflag:$0x7] =	stream.linear.gather [hbm4b:s0+s2], $0x80, $0x38;
	[tilespmem:$0x18080] =	vst v63  }
0x1f9: {  	_ =	swait.ge [sflag:s1], $0x80  }
0x1fa: {  	[sflag:s1] =	ssyncset.done $0x0  }
0x1fb: {  	[sflag:s1] =	ssyncadd.s32 $0xFFFFFF80  }
0x1fc: {  	v0 =	vld [tilespmem:$0x0];
	_ =	sdelay $0x4  }
0x1fd: {  	v0 =	vshll.u32 v0, $0x14  }
0x1fe: {  	(v2sf) =	vpush v0, $0x0  }
0x1ff: {  	(v2sf) =	vpush v0, $0x1  }
0x200: {  	(v2sf) =	vpush v0, $0x2;
	_ =	sdelay $0x2  }
0x201: {  	(v2sf) =	vpush v0, $0x3;
	_ =	sdelay $0x1  }
0x202: {  	(v2sf) =	vpush v0, $0x4;
	_ =	sdelay $0x2  }
0x203: {  	(v2sf) =	vpush v0, $0x5  }
0x204: {  	(v2sf) =	vpush v0, $0x6;
	_ =	sdelay $0x3  }
0x205: {  	(v2sf) =	vpush v0, $0x7;
	s20 =	spop (v2sf)  }
0x206: {  	s0 =	sor.u32 s4, s20;
	s21 =	spop (v2sf)  }
0x207: {  	s0 =	sshrl.u32 s0, $0x3;
	s1 =	sor.u32 s4, s21;
	s12 =	spop (v2sf)  }
0x208: {  	(v2sf) =	vpush v0, $0x8;
	s0 =	sadd.s32 s3, s0;
	s1 =	sshrl.u32 s1, $0x3;
	s12 =	sor.u32 s4, s12  }
0x209: {  	v1 =	vld [tilespmem:$0xA];
	(v2sf) =	vpush v0, $0x9;
	[tilespmem:s8], [sflag:$0x1] =	stream.linear.gather [hbm4b:s0+s2], $0x8000, $0x38  }
0x20a: {  	(v2sf) =	vpush v0, $0xA;
	s24 =	spop (v2sf);
	s22 =	sadd.s32 s3, s1;
	s23 =	sshrl.u32 s12, $0x3  }
0x20b: {  	[tilespmem:s7], [sflag:$0x2] =	stream.linear.gather [hbm4b:s22+s2], $0x8000, $0x38;
	[tilespmem:$0x18080] =	vst v63  }
0x20c: {  	s31 =	simm.s32 $0x10080;
	s26 =	spop (v2sf);
	s25 =	sadd.s32 s3, s23  }
0x20d: {  	(v2sf) =	vpush v0, $0xB;
	[tilespmem:s31], [sflag:$0x3] =	stream.linear.gather [hbm4b:s25+s2], $0x8000, $0x38;
	[tilespmem:$0x18080] =	vst v63  }
0x20e: {  	_ =	swait.ge [sflag:s11], $0x8000  }
0x20f: {  	[sflag:s11] =	ssyncset.done $0x0;
	s15 =	spop (v2sf)  }
0x210: {  	(v2sf) =	vpush v0, $0xC;
	[sflag:s11] =	ssyncadd.s32 $0xFFFF8000;
	s18 =	spop (v2sf)  }
0x211: {  	(v2sf) =	vpush v0, $0xD;
	[hbm4b:s17+s2] =	stream.linear.scatter [tilespmem:s8], [sflag:$0x4], $0x8000, $0x38;
	[tilespmem:$0x18080] =	vst v63  }
0x212: {  	s12 =	sor.u32 s4, s24;
	_ =	swait.ge [sflag:s6], $0x8000  }
0x213: {  	v1 =	vshll.u32 v1, $0x14;
	s12 =	sshrl.u32 s12, $0x3;
	[sflag:s6] =	ssyncset.done $0x0  }
0x214: {  	s12 =	sadd.s32 s3, s12;
	(v2sf) =	vpush v1, $0x6;
	s14 =	spop (v2sf);
	[sflag:s6] =	ssyncadd.s32 $0xFFFF8000  }
0x215: {  	(v2sf) =	vpush v0, $0xE;
	[tilespmem:s8], [sflag:$0x1] =	stream.linear.gather [hbm4b:s12+s2], $0x8000, $0x38;
	[tilespmem:$0x18080] =	vst v63  }
0x216: {  	_ =	swait.ge [sflag:s10], $0x8000  }
0x217: {  	s30 =	spop (v2sf)  }
0x218: {  	[sflag:s10] =	ssyncset.done $0x0;
	s29 =	spop (v2sf)  }
0x219: {  	s20 =	rddreg [dreg:$0x5];
	(v2sf) =	vpush v1, $0x7;
	[sflag:s10] =	ssyncadd.s32 $0xFFFF8000;
	s28 =	spop (v2sf)  }
0x21a: {  	(v2sf) =	vpush v0, $0xF;
	[hbm4b:s20+s2] =	stream.linear.scatter [tilespmem:s7], [sflag:$0x5], $0x8000, $0x38;
	[tilespmem:$0x18080] =	vst v63  }
0x21b: {  	s1 =	sor.u32 s4, s26;
	_ =	swait.ge [sflag:s5], $0x8000  }
0x21c: {  	s1 =	sshrl.u32 s1, $0x3;
	[sflag:s5] =	ssyncset.done $0x0  }
0x21d: {  	s1 =	sadd.s32 s3, s1;
	s26 =	spop (v2sf);
	(v2sf) =	vpush v1, $0x8;
	[sflag:s5] =	ssyncadd.s32 $0xFFFF8000  }
0x21e: {  	(v2sf) =	vpush v1, $0x9;
	[tilespmem:s7], [sflag:$0x2] =	stream.linear.gather [hbm4b:s1+s2], $0x8000, $0x38;
	[tilespmem:$0x18080] =	vst v63  }
0x21f: {  	_ =	swait.ge [sflag:s13], $0x8000  }
0x220: {  	s25 =	spop (v2sf);
	[sflag:s13] =	ssyncset.done $0x0  }
0x221: {  	s21 =	rddreg [dreg:$0x6];
	s23 =	spop (v2sf);
	[sflag:s13] =	ssyncadd.s32 $0xFFFF8000  }
0x222: {  	(v2sf) =	vpush v1, $0xA;
	[hbm4b:s21+s2] =	stream.linear.scatter [tilespmem:s31], [sflag:$0x6], $0x8000, $0x38;
	[tilespmem:$0x18080] =	vst v63  }
0x223: {  	(v2sf) =	vpush v1, $0xB;
	s20 =	spop (v2sf)  }
0x224: {  	s22 =	sor.u32 s4, s15;
	_ =	swait.ge [sflag:s9], $0x8000  }
0x225: {  	s1 =	sshrl.u32 s22, $0x3;
	[sflag:s9] =	ssyncset.done $0x0  }
0x226: {  	s1 =	sadd.s32 s3, s1;
	s22 =	spop (v2sf);
	(v2sf) =	vpush v1, $0xC;
	[sflag:s9] =	ssyncadd.s32 $0xFFFF8000  }
0x227: {  	(v2sf) =	vpush v1, $0xD;
	[tilespmem:s31], [sflag:$0x3] =	stream.linear.gather [hbm4b:s1+s2], $0x8000, $0x38;
	[tilespmem:$0x18080] =	vst v63  }
0x228: {  	_ =	swait.ge [sflag:s11], $0x8000  }
0x229: {  	[sflag:s11] =	ssyncset.done $0x0  }
0x22a: {  	s24 =	rddreg [dreg:$0x7];
	s21 =	spop (v2sf);
	[sflag:s11] =	ssyncadd.s32 $0xFFFF8000  }
0x22b: {  	[hbm4b:s24+s2] =	stream.linear.scatter [tilespmem:s8], [sflag:$0x4], $0x8000, $0x38;
	[tilespmem:$0x18080] =	vst v63  }
0x22c: {  	(v2sf) =	vpush v1, $0xE;
	s24 =	spop (v2sf)  }
0x22d: {  	(v2sf) =	vpush v1, $0xF;
	s19 =	spop (v2sf)  }
0x22e: {  	s0 =	sor.u32 s4, s18;
	_ =	swait.ge [sflag:s6], $0x8000  }
0x22f: {  	s0 =	sshrl.u32 s0, $0x3;
	[sflag:s6] =	ssyncset.done $0x0  }
0x230: {  	s0 =	sadd.s32 s3, s0;
	s18 =	spop (v2sf);
	[sflag:s6] =	ssyncadd.s32 $0xFFFF8000  }
0x231: {  	[tilespmem:s8], [sflag:$0x1] =	stream.linear.gather [hbm4b:s0+s2], $0x8000, $0x38;
	[tilespmem:$0x18080] =	vst v63  }
0x232: {  	s0 =	spop (v2sf)  }
0x233: {  	_ =	swait.ge [sflag:s10], $0x8000  }
0x234: {  	[sflag:s10] =	ssyncset.done $0x0  }
0x235: {  	s12 =	rddreg [dreg:$0x8];
	s1 =	spop (v2sf);
	[sflag:s10] =	ssyncadd.s32 $0xFFFF8000  }
0x236: {  	[hbm4b:s12+s2] =	stream.linear.scatter [tilespmem:s7], [sflag:$0x5], $0x8000, $0x38;
	[tilespmem:$0x18080] =	vst v63  }
0x237: {  	s17 =	spop (v2sf)  }
0x238: {  	s15 =	spop (v2sf)  }
0x239: {  	s14 =	sor.u32 s4, s14;
	_ =	swait.ge [sflag:s5], $0x8000  }
0x23a: {  	s12 =	sshrl.u32 s14, $0x3;
	[sflag:s5] =	ssyncset.done $0x0  }
0x23b: {  	s12 =	sadd.s32 s3, s12;
	[sflag:s5] =	ssyncadd.s32 $0xFFFF8000;
	s14 =	spop (v2sf)  }
0x23c: {  	[tilespmem:s7], [sflag:$0x2] =	stream.linear.gather [hbm4b:s12+s2], $0x8000, $0x38;
	[tilespmem:$0x18080] =	vst v63  }
0x23d: {  	_ =	swait.ge [sflag:s13], $0x8000  }
0x23e: {  	[sflag:s13] =	ssyncset.done $0x0  }
0x23f: {  	s12 =	rddreg [dreg:$0x9];
	[sflag:s13] =	ssyncadd.s32 $0xFFFF8000  }
0x240: {  	[hbm4b:s12+s2] =	stream.linear.scatter [tilespmem:s31], [sflag:$0x6], $0x8000, $0x38;
	[tilespmem:$0x18080] =	vst v63  }
0x241: {  	s12 =	spop (v2sf)  }
0x242: {  	[dreg:$0x1f] =	wrdreg s12  }
0x243: {  	s30 =	sor.u32 s4, s30;
	_ =	swait.ge [sflag:s9], $0x8000  }
0x244: {  	s12 =	sshrl.u32 s30, $0x3;
	[sflag:s9] =	ssyncset.done $0x0  }
0x245: {  	s12 =	sadd.s32 s3, s12;
	[sflag:s9] =	ssyncadd.s32 $0xFFFF8000  }
0x246: {  	[tilespmem:s31], [sflag:$0x3] =	stream.linear.gather [hbm4b:s12+s2], $0x8000, $0x38;
	[tilespmem:$0x18080] =	vst v63  }
0x247: {  	_ =	swait.ge [sflag:s11], $0x8000  }
0x248: {  	[sflag:s11] =	ssyncset.done $0x0  }
0x249: {  	s30 =	rddreg [dreg:$0xa];
	[sflag:s11] =	ssyncadd.s32 $0xFFFF8000  }
0x24a: {  	[hbm4b:s30+s2] =	stream.linear.scatter [tilespmem:s8], [sflag:$0x4], $0x8000, $0x38;
	[tilespmem:$0x18080] =	vst v63  }
0x24b: {  	s29 =	sor.u32 s4, s29;
	_ =	swait.ge [sflag:s6], $0x8000  }
0x24c: {  	s12 =	sshrl.u32 s29, $0x3;
	[sflag:s6] =	ssyncset.done $0x0  }
0x24d: {  	s12 =	sadd.s32 s3, s12;
	[sflag:s6] =	ssyncadd.s32 $0xFFFF8000  }
0x24e: {  	[tilespmem:s8], [sflag:$0x1] =	stream.linear.gather [hbm4b:s12+s2], $0x8000, $0x38;
	[tilespmem:$0x18080] =	vst v63  }
0x24f: {  	_ =	swait.ge [sflag:s10], $0x8000  }
0x250: {  	[sflag:s10] =	ssyncset.done $0x0  }
0x251: {  	s30 =	rddreg [dreg:$0xb];
	[sflag:s10] =	ssyncadd.s32 $0xFFFF8000  }
0x252: {  	[hbm4b:s30+s2] =	stream.linear.scatter [tilespmem:s7], [sflag:$0x5], $0x8000, $0x38;
	[tilespmem:$0x18080] =	vst v63  }
0x253: {  	s29 =	sor.u32 s4, s28;
	_ =	swait.ge [sflag:s5], $0x8000  }
0x254: {  	s12 =	sshrl.u32 s29, $0x3;
	[sflag:s5] =	ssyncset.done $0x0  }
0x255: {  	s12 =	sadd.s32 s3, s12;
	[sflag:s5] =	ssyncadd.s32 $0xFFFF8000  }
0x256: {  	[tilespmem:s7], [sflag:$0x2] =	stream.linear.gather [hbm4b:s12+s2], $0x8000, $0x38;
	[tilespmem:$0x18080] =	vst v63  }
0x257: {  	_ =	swait.ge [sflag:s13], $0x8000  }
0x258: {  	[sflag:s13] =	ssyncset.done $0x0  }
0x259: {  	s30 =	rddreg [dreg:$0xc];
	[sflag:s13] =	ssyncadd.s32 $0xFFFF8000  }
0x25a: {  	[hbm4b:s30+s2] =	stream.linear.scatter [tilespmem:s31], [sflag:$0x6], $0x8000, $0x38;
	[tilespmem:$0x18080] =	vst v63  }
0x25b: {  	s26 =	sor.u32 s4, s26;
	_ =	swait.ge [sflag:s9], $0x8000  }
0x25c: {  	s12 =	sshrl.u32 s26, $0x3;
	[sflag:s9] =	ssyncset.done $0x0  }
0x25d: {  	s12 =	sadd.s32 s3, s12;
	[sflag:s9] =	ssyncadd.s32 $0xFFFF8000  }
0x25e: {  	[tilespmem:s31], [sflag:$0x3] =	stream.linear.gather [hbm4b:s12+s2], $0x8000, $0x38;
	[tilespmem:$0x18080] =	vst v63  }
0x25f: {  	_ =	swait.ge [sflag:s11], $0x8000  }
0x260: {  	[sflag:s11] =	ssyncset.done $0x0  }
0x261: {  	s28 =	rddreg [dreg:$0xd];
	[sflag:s11] =	ssyncadd.s32 $0xFFFF8000  }
0x262: {  	[hbm4b:s28+s2] =	stream.linear.scatter [tilespmem:s8], [sflag:$0x4], $0x8000, $0x38;
	[tilespmem:$0x18080] =	vst v63  }
0x263: {  	s29 =	sor.u32 s4, s25;
	_ =	swait.ge [sflag:s6], $0x8000  }
0x264: {  	s12 =	sshrl.u32 s29, $0x3;
	[sflag:s6] =	ssyncset.done $0x0  }
0x265: {  	s12 =	sadd.s32 s3, s12;
	[sflag:s6] =	ssyncadd.s32 $0xFFFF8000  }
0x266: {  	[tilespmem:s8], [sflag:$0x1] =	stream.linear.gather [hbm4b:s12+s2], $0x8000, $0x38;
	[tilespmem:$0x18080] =	vst v63  }
0x267: {  	_ =	swait.ge [sflag:s10], $0x8000  }
0x268: {  	[sflag:s10] =	ssyncset.done $0x0  }
0x269: {  	s30 =	rddreg [dreg:$0xe];
	[sflag:s10] =	ssyncadd.s32 $0xFFFF8000  }
0x26a: {  	[hbm4b:s30+s2] =	stream.linear.scatter [tilespmem:s7], [sflag:$0x5], $0x8000, $0x38;
	[tilespmem:$0x18080] =	vst v63  }
0x26b: {  	s23 =	sor.u32 s4, s23;
	_ =	swait.ge [sflag:s5], $0x8000  }
0x26c: {  	s12 =	sshrl.u32 s23, $0x3;
	[sflag:s5] =	ssyncset.done $0x0  }
0x26d: {  	s12 =	sadd.s32 s3, s12;
	[sflag:s5] =	ssyncadd.s32 $0xFFFF8000  }
0x26e: {  	[tilespmem:s7], [sflag:$0x2] =	stream.linear.gather [hbm4b:s12+s2], $0x8000, $0x38;
	[tilespmem:$0x18080] =	vst v63  }
0x26f: {  	_ =	swait.ge [sflag:s13], $0x8000  }
0x270: {  	[sflag:s13] =	ssyncset.done $0x0  }
0x271: {  	s25 =	rddreg [dreg:$0xf];
	[sflag:s13] =	ssyncadd.s32 $0xFFFF8000  }
0x272: {  	[hbm4b:s25+s2] =	stream.linear.scatter [tilespmem:s31], [sflag:$0x6], $0x8000, $0x38;
	[tilespmem:$0x18080] =	vst v63  }
0x273: {  	s26 =	sor.u32 s4, s22;
	_ =	swait.ge [sflag:s9], $0x8000  }
0x274: {  	s12 =	sshrl.u32 s26, $0x3;
	[sflag:s9] =	ssyncset.done $0x0  }
0x275: {  	s12 =	sadd.s32 s3, s12;
	[sflag:s9] =	ssyncadd.s32 $0xFFFF8000  }
0x276: {  	[tilespmem:s31], [sflag:$0x3] =	stream.linear.gather [hbm4b:s12+s2], $0x8000, $0x38;
	[tilespmem:$0x18080] =	vst v63  }
0x277: {  	_ =	swait.ge [sflag:s11], $0x8000  }
0x278: {  	[sflag:s11] =	ssyncset.done $0x0  }
0x279: {  	s28 =	rddreg [dreg:$0x10];
	[sflag:s11] =	ssyncadd.s32 $0xFFFF8000  }
0x27a: {  	[hbm4b:s28+s2] =	stream.linear.scatter [tilespmem:s8], [sflag:$0x4], $0x8000, $0x38;
	[tilespmem:$0x18080] =	vst v63  }
0x27b: {  	s29 =	sor.u32 s4, s24;
	_ =	swait.ge [sflag:s6], $0x8000  }
0x27c: {  	s12 =	sshrl.u32 s29, $0x3;
	[sflag:s6] =	ssyncset.done $0x0  }
0x27d: {  	s12 =	sadd.s32 s3, s12;
	[sflag:s6] =	ssyncadd.s32 $0xFFFF8000  }
0x27e: {  	[tilespmem:s8], [sflag:$0x1] =	stream.linear.gather [hbm4b:s12+s2], $0x8000, $0x38;
	[tilespmem:$0x18080] =	vst v63  }
0x27f: {  	_ =	swait.ge [sflag:s10], $0x8000  }
0x280: {  	[sflag:s10] =	ssyncset.done $0x0  }
0x281: {  	s30 =	rddreg [dreg:$0x11];
	[sflag:s10] =	ssyncadd.s32 $0xFFFF8000  }
0x282: {  	[hbm4b:s30+s2] =	stream.linear.scatter [tilespmem:s7], [sflag:$0x5], $0x8000, $0x38;
	[tilespmem:$0x18080] =	vst v63  }
0x283: {  	s22 =	sor.u32 s4, s20;
	_ =	swait.ge [sflag:s5], $0x8000  }
0x284: {  	s12 =	sshrl.u32 s22, $0x3;
	[sflag:s5] =	ssyncset.done $0x0  }
0x285: {  	s12 =	sadd.s32 s3, s12;
	[sflag:s5] =	ssyncadd.s32 $0xFFFF8000  }
0x286: {  	[tilespmem:s7], [sflag:$0x2] =	stream.linear.gather [hbm4b:s12+s2], $0x8000, $0x38;
	[tilespmem:$0x18080] =	vst v63  }
0x287: {  	_ =	swait.ge [sflag:s13], $0x8000  }
0x288: {  	[sflag:s13] =	ssyncset.done $0x0  }
0x289: {  	s23 =	rddreg [dreg:$0x12];
	[sflag:s13] =	ssyncadd.s32 $0xFFFF8000  }
0x28a: {  	[hbm4b:s23+s2] =	stream.linear.scatter [tilespmem:s31], [sflag:$0x6], $0x8000, $0x38;
	[tilespmem:$0x18080] =	vst v63  }
0x28b: {  	s24 =	sor.u32 s4, s21;
	_ =	swait.ge [sflag:s9], $0x8000  }
0x28c: {  	s12 =	sshrl.u32 s24, $0x3;
	[sflag:s9] =	ssyncset.done $0x0  }
0x28d: {  	s12 =	sadd.s32 s3, s12;
	[sflag:s9] =	ssyncadd.s32 $0xFFFF8000  }
0x28e: {  	[tilespmem:s31], [sflag:$0x3] =	stream.linear.gather [hbm4b:s12+s2], $0x8000, $0x38;
	[tilespmem:$0x18080] =	vst v63  }
0x28f: {  	_ =	swait.ge [sflag:s11], $0x8000  }
0x290: {  	[sflag:s11] =	ssyncset.done $0x0  }
0x291: {  	s25 =	rddreg [dreg:$0x13];
	[sflag:s11] =	ssyncadd.s32 $0xFFFF8000  }
0x292: {  	[hbm4b:s25+s2] =	stream.linear.scatter [tilespmem:s8], [sflag:$0x4], $0x8000, $0x38;
	[tilespmem:$0x18080] =	vst v63  }
0x293: {  	s26 =	sor.u32 s4, s19;
	_ =	swait.ge [sflag:s6], $0x8000  }
0x294: {  	s12 =	sshrl.u32 s26, $0x3;
	[sflag:s6] =	ssyncset.done $0x0  }
0x295: {  	s12 =	sadd.s32 s3, s12;
	[sflag:s6] =	ssyncadd.s32 $0xFFFF8000  }
0x296: {  	[tilespmem:s8], [sflag:$0x1] =	stream.linear.gather [hbm4b:s12+s2], $0x8000, $0x38;
	[tilespmem:$0x18080] =	vst v63  }
0x297: {  	_ =	swait.ge [sflag:s10], $0x8000  }
0x298: {  	[sflag:s10] =	ssyncset.done $0x0  }
0x299: {  	s28 =	rddreg [dreg:$0x14];
	[sflag:s10] =	ssyncadd.s32 $0xFFFF8000  }
0x29a: {  	[hbm4b:s28+s2] =	stream.linear.scatter [tilespmem:s7], [sflag:$0x5], $0x8000, $0x38;
	[tilespmem:$0x18080] =	vst v63  }
0x29b: {  	s29 =	sor.u32 s4, s18;
	_ =	swait.ge [sflag:s5], $0x8000  }
0x29c: {  	s12 =	sshrl.u32 s29, $0x3;
	[sflag:s5] =	ssyncset.done $0x0  }
0x29d: {  	s12 =	sadd.s32 s3, s12;
	[sflag:s5] =	ssyncadd.s32 $0xFFFF8000  }
0x29e: {  	[tilespmem:s7], [sflag:$0x2] =	stream.linear.gather [hbm4b:s12+s2], $0x8000, $0x38;
	[tilespmem:$0x18080] =	vst v63  }
0x29f: {  	_ =	swait.ge [sflag:s13], $0x8000  }
0x2a0: {  	[sflag:s13] =	ssyncset.done $0x0  }
0x2a1: {  	s30 =	rddreg [dreg:$0x15];
	[sflag:s13] =	ssyncadd.s32 $0xFFFF8000  }
0x2a2: {  	[hbm4b:s30+s2] =	stream.linear.scatter [tilespmem:s31], [sflag:$0x6], $0x8000, $0x38;
	[tilespmem:$0x18080] =	vst v63  }
0x2a3: {  	s0 =	sor.u32 s4, s0;
	_ =	swait.ge [sflag:s9], $0x8000  }
0x2a4: {  	s0 =	sshrl.u32 s0, $0x3;
	[sflag:s9] =	ssyncset.done $0x0  }
0x2a5: {  	s0 =	sadd.s32 s3, s0;
	[sflag:s9] =	ssyncadd.s32 $0xFFFF8000  }
0x2a6: {  	[tilespmem:s31], [sflag:$0x3] =	stream.linear.gather [hbm4b:s0+s2], $0x8000, $0x38;
	[tilespmem:$0x18080] =	vst v63  }
0x2a7: {  	_ =	swait.ge [sflag:s11], $0x8000  }
0x2a8: {  	[sflag:s11] =	ssyncset.done $0x0  }
0x2a9: {  	s18 =	rddreg [dreg:$0x16];
	[sflag:s11] =	ssyncadd.s32 $0xFFFF8000  }
0x2aa: {  	[hbm4b:s18+s2] =	stream.linear.scatter [tilespmem:s8], [sflag:$0x4], $0x8000, $0x38;
	[tilespmem:$0x18080] =	vst v63  }
0x2ab: {  	s19 =	sor.u32 s4, s1;
	_ =	swait.ge [sflag:s6], $0x8000  }
0x2ac: {  	s0 =	sshrl.u32 s19, $0x3;
	[sflag:s6] =	ssyncset.done $0x0  }
0x2ad: {  	s0 =	sadd.s32 s3, s0;
	[sflag:s6] =	ssyncadd.s32 $0xFFFF8000  }
0x2ae: {  	[tilespmem:s8], [sflag:$0x1] =	stream.linear.gather [hbm4b:s0+s2], $0x8000, $0x38;
	[tilespmem:$0x18080] =	vst v63  }
0x2af: {  	_ =	swait.ge [sflag:s10], $0x8000  }
0x2b0: {  	[sflag:s10] =	ssyncset.done $0x0  }
0x2b1: {  	s20 =	rddreg [dreg:$0x17];
	[sflag:s10] =	ssyncadd.s32 $0xFFFF8000  }
0x2b2: {  	[hbm4b:s20+s2] =	stream.linear.scatter [tilespmem:s7], [sflag:$0x5], $0x8000, $0x38;
	[tilespmem:$0x18080] =	vst v63  }
0x2b3: {  	s21 =	sor.u32 s4, s17;
	_ =	swait.ge [sflag:s5], $0x8000  }
0x2b4: {  	s0 =	sshrl.u32 s21, $0x3;
	[sflag:s5] =	ssyncset.done $0x0  }
0x2b5: {  	s0 =	sadd.s32 s3, s0;
	[sflag:s5] =	ssyncadd.s32 $0xFFFF8000  }
0x2b6: {  	[tilespmem:s7], [sflag:$0x2] =	stream.linear.gather [hbm4b:s0+s2], $0x8000, $0x38;
	[tilespmem:$0x18080] =	vst v63  }
0x2b7: {  	_ =	swait.ge [sflag:s13], $0x8000  }
0x2b8: {  	[sflag:s13] =	ssyncset.done $0x0  }
0x2b9: {  	s22 =	rddreg [dreg:$0x18];
	[sflag:s13] =	ssyncadd.s32 $0xFFFF8000  }
0x2ba: {  	[hbm4b:s22+s2] =	stream.linear.scatter [tilespmem:s31], [sflag:$0x6], $0x8000, $0x38;
	[tilespmem:$0x18080] =	vst v63  }
0x2bb: {  	s23 =	sor.u32 s4, s15;
	_ =	swait.ge [sflag:s9], $0x8000  }
0x2bc: {  	s0 =	sshrl.u32 s23, $0x3;
	[sflag:s9] =	ssyncset.done $0x0  }
0x2bd: {  	s0 =	sadd.s32 s3, s0;
	[sflag:s9] =	ssyncadd.s32 $0xFFFF8000  }
0x2be: {  	[tilespmem:s31], [sflag:$0x3] =	stream.linear.gather [hbm4b:s0+s2], $0x8000, $0x38;
	[tilespmem:$0x18080] =	vst v63  }
0x2bf: {  	_ =	swait.ge [sflag:s11], $0x8000  }
0x2c0: {  	[sflag:s11] =	ssyncset.done $0x0  }
0x2c1: {  	s24 =	rddreg [dreg:$0x19];
	[sflag:s11] =	ssyncadd.s32 $0xFFFF8000  }
0x2c2: {  	[hbm4b:s24+s2] =	stream.linear.scatter [tilespmem:s8], [sflag:$0x4], $0x8000, $0x38;
	[tilespmem:$0x18080] =	vst v63  }
0x2c3: {  	s25 =	sor.u32 s4, s14;
	_ =	swait.ge [sflag:s6], $0x8000  }
0x2c4: {  	s0 =	sshrl.u32 s25, $0x3;
	[sflag:s6] =	ssyncset.done $0x0  }
0x2c5: {  	s0 =	sadd.s32 s3, s0;
	[sflag:s6] =	ssyncadd.s32 $0xFFFF8000  }
0x2c6: {  	[tilespmem:s8], [sflag:$0x1] =	stream.linear.gather [hbm4b:s0+s2], $0x8000, $0x38;
	[tilespmem:$0x18080] =	vst v63  }
0x2c7: {  	_ =	swait.ge [sflag:s10], $0x8000  }
0x2c8: {  	s26 =	rddreg [dreg:$0x1a];
	[sflag:s10] =	ssyncset.done $0x0  }
0x2c9: {  	s28 =	rddreg [dreg:$0x1f];
	[sflag:s10] =	ssyncadd.s32 $0xFFFF8000  }
0x2ca: {  	[hbm4b:s26+s2] =	stream.linear.scatter [tilespmem:s7], [sflag:$0x5], $0x8000, $0x38;
	[tilespmem:$0x18080] =	vst v63  }
0x2cb: {  	s0 =	sor.u32 s4, s28;
	_ =	swait.ge [sflag:s5], $0x8000  }
0x2cc: {  	s0 =	sshrl.u32 s0, $0x3;
	[sflag:s5] =	ssyncset.done $0x0  }
0x2cd: {  	s0 =	sadd.s32 s3, s0;
	[sflag:s5] =	ssyncadd.s32 $0xFFFF8000  }
0x2ce: {  	[tilespmem:s7], [sflag:$0x2] =	stream.linear.gather [hbm4b:s0+s2], $0x8000, $0x38;
	[tilespmem:$0x18080] =	vst v63  }
0x2cf: {  	_ =	swait.ge [sflag:s13], $0x8000  }
0x2d0: {  	[sflag:s13] =	ssyncset.done $0x0  }
0x2d1: {  	s29 =	rddreg [dreg:$0x1b];
	[sflag:s13] =	ssyncadd.s32 $0xFFFF8000  }
0x2d2: {  	[hbm4b:s29+s2] =	stream.linear.scatter [tilespmem:s31], [sflag:$0x6], $0x8000, $0x38;
	[tilespmem:$0x18080] =	vst v63  }
0x2d3: {  	_ =	swait.ge [sflag:s11], $0x8000  }
0x2d4: {  	[sflag:s11] =	ssyncset.done $0x0  }
0x2d5: {  	s30 =	rddreg [dreg:$0x1c];
	[sflag:s11] =	ssyncadd.s32 $0xFFFF8000  }
0x2d6: {  	[hbm4b:s30+s2] =	stream.linear.scatter [tilespmem:s8], [sflag:$0x4], $0x8000, $0x38;
	[tilespmem:$0x18080] =	vst v63  }
0x2d7: {  	_ =	swait.ge [sflag:s10], $0x8000  }
0x2d8: {  	[sflag:s10] =	ssyncset.done $0x0  }
0x2d9: {  	s31 =	rddreg [dreg:$0x1d];
	[sflag:s10] =	ssyncadd.s32 $0xFFFF8000  }
0x2da: {  	[hbm4b:s31+s2] =	stream.linear.scatter [tilespmem:s7], [sflag:$0x5], $0x8000, $0x38;
	[tilespmem:$0x18080] =	vst v63  }
0x2db: {  	_ =	swait.ge [sflag:s9], $0x8000  }
0x2dc: {  	[sflag:s9] =	ssyncset.done $0x0  }
0x2dd: {  	[sflag:s9] =	ssyncadd.s32 $0xFFFF8000  }
0x2de: {  	_ =	swait.ge [sflag:s6], $0x8000  }
0x2df: {  	[sflag:s6] =	ssyncset.done $0x0  }
0x2e0: {  	[sflag:s6] =	ssyncadd.s32 $0xFFFF8000  }
0x2e1: {  	_ =	swait.ge [sflag:s5], $0x8000  }
0x2e2: {  	[sflag:s5] =	ssyncset.done $0x0  }
0x2e3: {  	[sflag:s5] =	ssyncadd.s32 $0xFFFF8000  }
0x2e4: {  	_ =	sfence.sel $0x180000  }
0x2e5: {  	[bflag:$0x0] =	sbarrier.arrive $0xFFFF  }
0x2e6: {  	_ =	strace $0x90000047  }
0x2e7: {  	[bflag:$0x2] =	sbarrier.arrive $0xFFFF  }
0x2e8: {  	p0 =	sne.s32 s16, $0x0;
	s0 =	rddreg [dreg:$0x3]  }
0x2e9: {  	s0 =	sadd.s32 @!p0 $0x100000, s0  }
0x2ea: {  	[sflag:s0] =	ssyncadd.tile.s32 @!p0 $0x1;
	_ =	shalt  }
.LBB2_2:
.Ltmp3:
0x2eb: {  	(pc) =	sbr.rel .LBB2_5-.Ltmp3, $2  }
0x2ec: {  	_ =	sdelay $0x2  }
0x2ed: {  	s16 =	stileid.u32;
	s17 =	rddreg [dreg:$0x1e];
	s1 =	simm.s32 $0x7  }
.Lfunc_end2:
_tile_overlayer_lowered:
.L_overlay_start_2:
0x2ee: {  	(tag) =	ssettag $0x2  }
0x2ef: {  	s0 =	rddreg [dreg:$0x0];
	s2 =	stileid.u32  }
0x2f0: {  	s1 =	rddreg [dreg:$0x1];
	p0 =	sne.s32 s2, $0x0  }
0x2f1: {  	s3 =	rddreg [dreg:$0x2];
	[bflag:$0x3] =	sbarrier.arrive $0xFFFF;
	s2 =	simm.s32 @!p0 $0x1C07  }
0x2f2: {  	[timem:s3], [sflag:s2] =	dma.local @!p0 [hbm:s0], s1  }
0x2f3: {  	s0 =	simm.s32 @!p0 $0x7  }
0x2f4: {  	_ =	swait.ge @!p0 [sflag:s0], s1  }
0x2f5: {  	s1 =	ssub.s32 @!p0 $0x0, s1;
	[sflag:s0] =	ssyncset.done @!p0 $0x0  }
0x2f6: {  	[sflag:s0] =	ssyncadd.s32 @!p0 s1  }
0x2f7: {  	[bflag:$0x3] =	sbarrier.arrive $0xFFFF  }
0x2f8: {  	_ =	shalt  }

</sc_bundles>
